<compile_context>
chip_gen: v7x
topology: tpu7x:2x2x1
jax: 0.10.2.dev20260603
libtpu: 0.0.44.dev20260713+nightly
codegen_flags: <defaults>
</compile_context>

<pallas_src>
import jax
import jax.numpy as jnp
from jax import lax
from jax.experimental import pallas as pl
from jax.experimental.pallas import tpu as pltpu
from jax.experimental.pallas import tpu_sc as plsc

_BATCH = 16384
_NUM_FIELDS = 26
_VOCAB = 100000
_EMB_DIM = 32

_NC = 2
_NS = 16
_NW = _NC * _NS
_HB = _BATCH // 2


def _sc_body(x_hbm, table_hbm, out_hbm, row_v, tail_v, idx_v, acc, sem_r,
             sem_t, sem_i):
    s = lax.axis_index("s") * _NC + lax.axis_index("c")

    def field(i, first):
        bnds = (0, 25088, 50176, 75264, 99968)
        cps = [pltpu.async_copy(
                   table_hbm.at[i, s, pl.ds(bnds[k], bnds[k + 1] - bnds[k])],
                   row_v.at[pl.ds(bnds[k], bnds[k + 1] - bnds[k])], sem_r)
               for k in range(4)]
        tail_cp = pltpu.async_copy(
            table_hbm.at[i, s, pl.ds(99968, 32)], tail_v, sem_t)
        idx_cp = pltpu.async_copy(x_hbm.at[i, pl.ds(0, _HB)], idx_v, sem_i)
        for cp in cps:
            cp.wait()
        tail_cp.wait()
        row_v[pl.ds(99968, 16)] = tail_v[pl.ds(0, 16)]
        row_v[pl.ds(99984, 16)] = tail_v[pl.ds(16, 16)]

        def process(half_base):
            def chunk(j, carry):
                v = idx_v[pl.ds(j * 16, 16)]
                g = plsc.load_gather(row_v, [v])
                sl = pl.ds(half_base + j * 16, 16)
                if first:
                    acc[sl] = g
                else:
                    plsc.addupdate(acc.at[sl], g)
                return carry
            lax.fori_loop(0, _HB // 16, chunk, 0, unroll=8)

        idx_cp.wait()
        process(0)
        idx_cp2 = pltpu.async_copy(x_hbm.at[i, pl.ds(_HB, _HB)], idx_v, sem_i)
        idx_cp2.wait()
        process(_HB)

    field(0, True)
    lax.fori_loop(1, _NUM_FIELDS, lambda i, c: (field(i, False), c)[1], 0)
    pltpu.sync_copy(acc, out_hbm.at[s])


def kernel(x, tables):
    x_t = x.T
    tables_t = tables.transpose(0, 2, 1)

    f = pl.kernel(
        _sc_body,
        out_type=jax.ShapeDtypeStruct((_EMB_DIM, _BATCH), jnp.float32),
        mesh=plsc.VectorSubcoreMesh(core_axis_name="c", subcore_axis_name="s"),
        scratch_types=[
            pltpu.VMEM((_VOCAB,), jnp.float32),
            pltpu.VMEM((32,), jnp.float32),
            pltpu.VMEM((_HB,), jnp.int32),
            pltpu.VMEM((_BATCH,), jnp.float32),
            pltpu.SemaphoreType.DMA,
            pltpu.SemaphoreType.DMA,
            pltpu.SemaphoreType.DMA,
        ],
        compiler_params=pltpu.CompilerParams(
            use_tc_tiling_on_sc=True, needs_layout_passes=False),
    )
    out_t = f(x_t, tables_t)
    return out_t.T

# --- scband reference (transcript-rebuilt; emitter-appended) ---
"""Pipeline reference for scband-encoder-37572373905432 (READ-ONLY COPY).

The authoritative reference and input builder live on the scoring server;
editing this copy changes nothing except your own understanding.
"""

import jax, jax.numpy as jnp
import numpy as np

BATCH = 16384
NUM_FIELDS = 26
VOCAB = 100000
EMB_DIM = 32


def setup_inputs(seed: int = 0) -> dict:
    key = jax.random.key(seed)
    kx, kw = jax.random.split(key)
    x = jax.random.randint(kx, (BATCH, NUM_FIELDS), 0, VOCAB, dtype=jnp.int32)
    # xavier_uniform bound for each (VOCAB, EMB_DIM) embedding table
    bound = float(np.sqrt(6.0 / (VOCAB + EMB_DIM)))
    tables = jax.random.uniform(kw, (NUM_FIELDS, VOCAB, EMB_DIM), minval=-bound, maxval=bound, dtype=jnp.float32)
    return {"x": x, "tables": tables}


def reference(x, tables):
    # Faithful translation of Encoder.forward: sum of per-field embedding lookups
    out = jnp.zeros((x.shape[0], tables.shape[-1]), dtype=tables.dtype)
    for i in range(NUM_FIELDS):
        out = out + jnp.take(tables[i], x[:, i], axis=0)
    return out

if __name__ == "__main__":
    import jax
    _d = setup_inputs()
    print(jax.jit(kernel)(*tuple(_d.values())))

</pallas_src>

<mosaic_0001>
#map = affine_map<(d0, d1) -> (0, 0)>
#map1 = affine_map<(d0, d1) -> (0, 0, 0)>
module attributes {stable_mosaic.version = 14 : i64} {
  func.func @_sc_body(%arg0: i32, %arg1: i32, %arg2: memref<26x16384xi32, #tpu.memory_space<hbm>>, %arg3: memref<26x32x100000xf32, #tpu.memory_space<hbm>>, %arg4: memref<32x16384xf32, #tpu.memory_space<hbm>>, %arg5: memref<100000xf32, #tpu.memory_space<vmem>>, %arg6: memref<32xf32, #tpu.memory_space<vmem>>, %arg7: memref<8192xi32, #tpu.memory_space<vmem>>, %arg8: memref<16384xf32, #tpu.memory_space<vmem>>, %arg9: memref<!tpu.dma_semaphore, #tpu.memory_space<semaphore_mem>>, %arg10: memref<!tpu.dma_semaphore, #tpu.memory_space<semaphore_mem>>, %arg11: memref<!tpu.dma_semaphore, #tpu.memory_space<semaphore_mem>>) attributes {dimension_semantics = [#tpu.dimension_semantics<core_parallel>, #tpu.dimension_semantics<subcore_parallel>], iteration_bounds = array<i64: 2, 16>, scalar_prefetch = 0 : i64, scratch_operands = 7 : i64, tpu.core_type = #tpu.core_type<sc_vector_subcore>, window_params = [{transform_indices = #map}, {transform_indices = #map1}, {transform_indices = #map}]} {
    %mul3A = arith.constant 2 : i32
    %mul3A_0 = arith.muli %arg1, %mul3A : i32
    %add3A = arith.addi %mul3A_0, %arg0 : i32
    %dma_start3A = arith.constant 0 : i32
    %dma_start3A_1 = arith.constant 0 : i32
    %dma_start3A_2 = tpu.memref_slice %arg5[%dma_start3A_1] : memref<100000xf32, #tpu.memory_space<vmem>> -> memref<25088xf32, #tpu.memory_space<vmem>>
    %dma_start3A_3 = arith.constant 0 : i32
    %dma_start3A_4 = tpu.memref_slice %arg3[%dma_start3A, %add3A, %dma_start3A_3] : memref<26x32x100000xf32, #tpu.memory_space<hbm>> -> memref<1x1x25088xf32, #tpu.memory_space<hbm>>
    %dma_start3A_5 = tpu.memref_squeeze %dma_start3A_4 : memref<1x1x25088xf32, #tpu.memory_space<hbm>> -> memref<25088xf32, #tpu.memory_space<hbm>>
    %dma_start3A_6 = arith.constant 0 : i32
    %dma_start3A_7 = tpu.memref_slice %arg5[%dma_start3A_6] : memref<100000xf32, #tpu.memory_space<vmem>> -> memref<25088xf32, #tpu.memory_space<vmem>>
    %dma_start3A_8 = arith.constant 0 : i32
    %dma_start3A_9 = tpu.memref_slice %arg3[%dma_start3A, %add3A, %dma_start3A_8] : memref<26x32x100000xf32, #tpu.memory_space<hbm>> -> memref<1x1x25088xf32, #tpu.memory_space<hbm>>
    %dma_start3A_10 = tpu.memref_squeeze %dma_start3A_9 : memref<1x1x25088xf32, #tpu.memory_space<hbm>> -> memref<25088xf32, #tpu.memory_space<hbm>>
    tpu.enqueue_dma source(%dma_start3A_10 : memref<25088xf32, #tpu.memory_space<hbm>>) target(%dma_start3A_7 : memref<25088xf32, #tpu.memory_space<vmem>>) target_semaphore(%arg9 : memref<!tpu.dma_semaphore, #tpu.memory_space<semaphore_mem>>)
    %dma_start3A_11 = arith.constant 0 : i32
    %dma_start3A_12 = arith.constant 25088 : i32
    %dma_start3A_13 = tpu.memref_slice %arg5[%dma_start3A_12] : memref<100000xf32, #tpu.memory_space<vmem>> -> memref<25088xf32, #tpu.memory_space<vmem>>
    %dma_start3A_14 = arith.constant 25088 : i32
    %dma_start3A_15 = tpu.memref_slice %arg3[%dma_start3A_11, %add3A, %dma_start3A_14] : memref<26x32x100000xf32, #tpu.memory_space<hbm>> -> memref<1x1x25088xf32, #tpu.memory_space<hbm>>
    %dma_start3A_16 = tpu.memref_squeeze %dma_start3A_15 : memref<1x1x25088xf32, #tpu.memory_space<hbm>> -> memref<25088xf32, #tpu.memory_space<hbm>>
    %dma_start3A_17 = arith.constant 25088 : i32
    %dma_start3A_18 = tpu.memref_slice %arg5[%dma_start3A_17] : memref<100000xf32, #tpu.memory_space<vmem>> -> memref<25088xf32, #tpu.memory_space<vmem>>
    %dma_start3A_19 = arith.constant 25088 : i32
    %dma_start3A_20 = tpu.memref_slice %arg3[%dma_start3A_11, %add3A, %dma_start3A_19] : memref<26x32x100000xf32, #tpu.memory_space<hbm>> -> memref<1x1x25088xf32, #tpu.memory_space<hbm>>
    %dma_start3A_21 = tpu.memref_squeeze %dma_start3A_20 : memref<1x1x25088xf32, #tpu.memory_space<hbm>> -> memref<25088xf32, #tpu.memory_space<hbm>>
    tpu.enqueue_dma source(%dma_start3A_21 : memref<25088xf32, #tpu.memory_space<hbm>>) target(%dma_start3A_18 : memref<25088xf32, #tpu.memory_space<vmem>>) target_semaphore(%arg9 : memref<!tpu.dma_semaphore, #tpu.memory_space<semaphore_mem>>)
    %dma_start3A_22 = arith.constant 0 : i32
    %dma_start3A_23 = arith.constant 50176 : i32
    %dma_start3A_24 = tpu.memref_slice %arg5[%dma_start3A_23] : memref<100000xf32, #tpu.memory_space<vmem>> -> memref<25088xf32, #tpu.memory_space<vmem>>
    %dma_start3A_25 = arith.constant 50176 : i32
    %dma_start3A_26 = tpu.memref_slice %arg3[%dma_start3A_22, %add3A, %dma_start3A_25] : memref<26x32x100000xf32, #tpu.memory_space<hbm>> -> memref<1x1x25088xf32, #tpu.memory_space<hbm>>
    %dma_start3A_27 = tpu.memref_squeeze %dma_start3A_26 : memref<1x1x25088xf32, #tpu.memory_space<hbm>> -> memref<25088xf32, #tpu.memory_space<hbm>>
    %dma_start3A_28 = arith.constant 50176 : i32
    %dma_start3A_29 = tpu.memref_slice %arg5[%dma_start3A_28] : memref<100000xf32, #tpu.memory_space<vmem>> -> memref<25088xf32, #tpu.memory_space<vmem>>
    %dma_start3A_30 = arith.constant 50176 : i32
    %dma_start3A_31 = tpu.memref_slice %arg3[%dma_start3A_22, %add3A, %dma_start3A_30] : memref<26x32x100000xf32, #tpu.memory_space<hbm>> -> memref<1x1x25088xf32, #tpu.memory_space<hbm>>
    %dma_start3A_32 = tpu.memref_squeeze %dma_start3A_31 : memref<1x1x25088xf32, #tpu.memory_space<hbm>> -> memref<25088xf32, #tpu.memory_space<hbm>>
    tpu.enqueue_dma source(%dma_start3A_32 : memref<25088xf32, #tpu.memory_space<hbm>>) target(%dma_start3A_29 : memref<25088xf32, #tpu.memory_space<vmem>>) target_semaphore(%arg9 : memref<!tpu.dma_semaphore, #tpu.memory_space<semaphore_mem>>)
    %dma_start3A_33 = arith.constant 0 : i32
    %dma_start3A_34 = arith.constant 75264 : i32
    %dma_start3A_35 = tpu.memref_slice %arg5[%dma_start3A_34] : memref<100000xf32, #tpu.memory_space<vmem>> -> memref<24704xf32, #tpu.memory_space<vmem>>
    %dma_start3A_36 = arith.constant 75264 : i32
    %dma_start3A_37 = tpu.memref_slice %arg3[%dma_start3A_33, %add3A, %dma_start3A_36] : memref<26x32x100000xf32, #tpu.memory_space<hbm>> -> memref<1x1x24704xf32, #tpu.memory_space<hbm>>
    %dma_start3A_38 = tpu.memref_squeeze %dma_start3A_37 : memref<1x1x24704xf32, #tpu.memory_space<hbm>> -> memref<24704xf32, #tpu.memory_space<hbm>>
    %dma_start3A_39 = arith.constant 75264 : i32
    %dma_start3A_40 = tpu.memref_slice %arg5[%dma_start3A_39] : memref<100000xf32, #tpu.memory_space<vmem>> -> memref<24704xf32, #tpu.memory_space<vmem>>
    %dma_start3A_41 = arith.constant 75264 : i32
    %dma_start3A_42 = tpu.memref_slice %arg3[%dma_start3A_33, %add3A, %dma_start3A_41] : memref<26x32x100000xf32, #tpu.memory_space<hbm>> -> memref<1x1x24704xf32, #tpu.memory_space<hbm>>
    %dma_start3A_43 = tpu.memref_squeeze %dma_start3A_42 : memref<1x1x24704xf32, #tpu.memory_space<hbm>> -> memref<24704xf32, #tpu.memory_space<hbm>>
    tpu.enqueue_dma source(%dma_start3A_43 : memref<24704xf32, #tpu.memory_space<hbm>>) target(%dma_start3A_40 : memref<24704xf32, #tpu.memory_space<vmem>>) target_semaphore(%arg9 : memref<!tpu.dma_semaphore, #tpu.memory_space<semaphore_mem>>)
    %dma_start3A_44 = arith.constant 0 : i32
    %dma_start3A_45 = arith.constant 99968 : i32
    %dma_start3A_46 = tpu.memref_slice %arg3[%dma_start3A_44, %add3A, %dma_start3A_45] : memref<26x32x100000xf32, #tpu.memory_space<hbm>> -> memref<1x1x32xf32, #tpu.memory_space<hbm>>
    %dma_start3A_47 = tpu.memref_squeeze %dma_start3A_46 : memref<1x1x32xf32, #tpu.memory_space<hbm>> -> memref<32xf32, #tpu.memory_space<hbm>>
    %dma_start3A_48 = arith.constant 99968 : i32
    %dma_start3A_49 = tpu.memref_slice %arg3[%dma_start3A_44, %add3A, %dma_start3A_48] : memref<26x32x100000xf32, #tpu.memory_space<hbm>> -> memref<1x1x32xf32, #tpu.memory_space<hbm>>
    %dma_start3A_50 = tpu.memref_squeeze %dma_start3A_49 : memref<1x1x32xf32, #tpu.memory_space<hbm>> -> memref<32xf32, #tpu.memory_space<hbm>>
    tpu.enqueue_dma source(%dma_start3A_50 : memref<32xf32, #tpu.memory_space<hbm>>) target(%arg6 : memref<32xf32, #tpu.memory_space<vmem>>) target_semaphore(%arg10 : memref<!tpu.dma_semaphore, #tpu.memory_space<semaphore_mem>>)
    %dma_start3A_51 = arith.constant 0 : i32
    %dma_start3A_52 = arith.constant 0 : i32
    %dma_start3A_53 = tpu.memref_slice %arg2[%dma_start3A_51, %dma_start3A_52] : memref<26x16384xi32, #tpu.memory_space<hbm>> -> memref<1x8192xi32, #tpu.memory_space<hbm>>
    %dma_start3A_54 = tpu.memref_squeeze %dma_start3A_53 : memref<1x8192xi32, #tpu.memory_space<hbm>> -> memref<8192xi32, #tpu.memory_space<hbm>>
    %dma_start3A_55 = arith.constant 0 : i32
    %dma_start3A_56 = tpu.memref_slice %arg2[%dma_start3A_51, %dma_start3A_55] : memref<26x16384xi32, #tpu.memory_space<hbm>> -> memref<1x8192xi32, #tpu.memory_space<hbm>>
    %dma_start3A_57 = tpu.memref_squeeze %dma_start3A_56 : memref<1x8192xi32, #tpu.memory_space<hbm>> -> memref<8192xi32, #tpu.memory_space<hbm>>
    tpu.enqueue_dma source(%dma_start3A_57 : memref<8192xi32, #tpu.memory_space<hbm>>) target(%arg7 : memref<8192xi32, #tpu.memory_space<vmem>>) target_semaphore(%arg11 : memref<!tpu.dma_semaphore, #tpu.memory_space<semaphore_mem>>)
    %dma_wait3A = arith.constant 0 : i32
    %dma_wait3A_58 = arith.constant 0 : i32
    %dma_wait3A_59 = tpu.memref_slice %arg5[%dma_wait3A_58] : memref<100000xf32, #tpu.memory_space<vmem>> -> memref<25088xf32, #tpu.memory_space<vmem>>
    %dma_wait3A_60 = arith.constant 0 : i32
    %dma_wait3A_61 = tpu.memref_slice %arg3[%dma_wait3A, %add3A, %dma_wait3A_60] : memref<26x32x100000xf32, #tpu.memory_space<hbm>> -> memref<1x1x25088xf32, #tpu.memory_space<hbm>>
    %dma_wait3A_62 = tpu.memref_squeeze %dma_wait3A_61 : memref<1x1x25088xf32, #tpu.memory_space<hbm>> -> memref<25088xf32, #tpu.memory_space<hbm>>
    %dma_wait3A_63 = arith.constant 0 : i32
    %dma_wait3A_64 = tpu.memref_slice %arg5[%dma_wait3A_63] : memref<100000xf32, #tpu.memory_space<vmem>> -> memref<25088xf32, #tpu.memory_space<vmem>>
    %dma_wait3A_65 = arith.constant 0 : i32
    %dma_wait3A_66 = tpu.memref_slice %arg3[%dma_wait3A, %add3A, %dma_wait3A_65] : memref<26x32x100000xf32, #tpu.memory_space<hbm>> -> memref<1x1x25088xf32, #tpu.memory_space<hbm>>
    %dma_wait3A_67 = tpu.memref_squeeze %dma_wait3A_66 : memref<1x1x25088xf32, #tpu.memory_space<hbm>> -> memref<25088xf32, #tpu.memory_space<hbm>>
    tpu.wait_dma2 semaphore(%arg9 : memref<!tpu.dma_semaphore, #tpu.memory_space<semaphore_mem>>) src(%dma_wait3A_67 : memref<25088xf32, #tpu.memory_space<hbm>>) dst(%dma_wait3A_64 : memref<25088xf32, #tpu.memory_space<vmem>>)
    %dma_wait3A_68 = arith.constant 0 : i32
    %dma_wait3A_69 = arith.constant 25088 : i32
    %dma_wait3A_70 = tpu.memref_slice %arg5[%dma_wait3A_69] : memref<100000xf32, #tpu.memory_space<vmem>> -> memref<25088xf32, #tpu.memory_space<vmem>>
    %dma_wait3A_71 = arith.constant 25088 : i32
    %dma_wait3A_72 = tpu.memref_slice %arg3[%dma_wait3A_68, %add3A, %dma_wait3A_71] : memref<26x32x100000xf32, #tpu.memory_space<hbm>> -> memref<1x1x25088xf32, #tpu.memory_space<hbm>>
    %dma_wait3A_73 = tpu.memref_squeeze %dma_wait3A_72 : memref<1x1x25088xf32, #tpu.memory_space<hbm>> -> memref<25088xf32, #tpu.memory_space<hbm>>
    %dma_wait3A_74 = arith.constant 25088 : i32
    %dma_wait3A_75 = tpu.memref_slice %arg5[%dma_wait3A_74] : memref<100000xf32, #tpu.memory_space<vmem>> -> memref<25088xf32, #tpu.memory_space<vmem>>
    %dma_wait3A_76 = arith.constant 25088 : i32
    %dma_wait3A_77 = tpu.memref_slice %arg3[%dma_wait3A_68, %add3A, %dma_wait3A_76] : memref<26x32x100000xf32, #tpu.memory_space<hbm>> -> memref<1x1x25088xf32, #tpu.memory_space<hbm>>
    %dma_wait3A_78 = tpu.memref_squeeze %dma_wait3A_77 : memref<1x1x25088xf32, #tpu.memory_space<hbm>> -> memref<25088xf32, #tpu.memory_space<hbm>>
    tpu.wait_dma2 semaphore(%arg9 : memref<!tpu.dma_semaphore, #tpu.memory_space<semaphore_mem>>) src(%dma_wait3A_78 : memref<25088xf32, #tpu.memory_space<hbm>>) dst(%dma_wait3A_75 : memref<25088xf32, #tpu.memory_space<vmem>>)
    %dma_wait3A_79 = arith.constant 0 : i32
    %dma_wait3A_80 = arith.constant 50176 : i32
    %dma_wait3A_81 = tpu.memref_slice %arg5[%dma_wait3A_80] : memref<100000xf32, #tpu.memory_space<vmem>> -> memref<25088xf32, #tpu.memory_space<vmem>>
    %dma_wait3A_82 = arith.constant 50176 : i32
    %dma_wait3A_83 = tpu.memref_slice %arg3[%dma_wait3A_79, %add3A, %dma_wait3A_82] : memref<26x32x100000xf32, #tpu.memory_space<hbm>> -> memref<1x1x25088xf32, #tpu.memory_space<hbm>>
    %dma_wait3A_84 = tpu.memref_squeeze %dma_wait3A_83 : memref<1x1x25088xf32, #tpu.memory_space<hbm>> -> memref<25088xf32, #tpu.memory_space<hbm>>
    %dma_wait3A_85 = arith.constant 50176 : i32
    %dma_wait3A_86 = tpu.memref_slice %arg5[%dma_wait3A_85] : memref<100000xf32, #tpu.memory_space<vmem>> -> memref<25088xf32, #tpu.memory_space<vmem>>
    %dma_wait3A_87 = arith.constant 50176 : i32
    %dma_wait3A_88 = tpu.memref_slice %arg3[%dma_wait3A_79, %add3A, %dma_wait3A_87] : memref<26x32x100000xf32, #tpu.memory_space<hbm>> -> memref<1x1x25088xf32, #tpu.memory_space<hbm>>
    %dma_wait3A_89 = tpu.memref_squeeze %dma_wait3A_88 : memref<1x1x25088xf32, #tpu.memory_space<hbm>> -> memref<25088xf32, #tpu.memory_space<hbm>>
    tpu.wait_dma2 semaphore(%arg9 : memref<!tpu.dma_semaphore, #tpu.memory_space<semaphore_mem>>) src(%dma_wait3A_89 : memref<25088xf32, #tpu.memory_space<hbm>>) dst(%dma_wait3A_86 : memref<25088xf32, #tpu.memory_space<vmem>>)
    %dma_wait3A_90 = arith.constant 0 : i32
    %dma_wait3A_91 = arith.constant 75264 : i32
    %dma_wait3A_92 = tpu.memref_slice %arg5[%dma_wait3A_91] : memref<100000xf32, #tpu.memory_space<vmem>> -> memref<24704xf32, #tpu.memory_space<vmem>>
    %dma_wait3A_93 = arith.constant 75264 : i32
    %dma_wait3A_94 = tpu.memref_slice %arg3[%dma_wait3A_90, %add3A, %dma_wait3A_93] : memref<26x32x100000xf32, #tpu.memory_space<hbm>> -> memref<1x1x24704xf32, #tpu.memory_space<hbm>>
    %dma_wait3A_95 = tpu.memref_squeeze %dma_wait3A_94 : memref<1x1x24704xf32, #tpu.memory_space<hbm>> -> memref<24704xf32, #tpu.memory_space<hbm>>
    %dma_wait3A_96 = arith.constant 75264 : i32
    %dma_wait3A_97 = tpu.memref_slice %arg5[%dma_wait3A_96] : memref<100000xf32, #tpu.memory_space<vmem>> -> memref<24704xf32, #tpu.memory_space<vmem>>
    %dma_wait3A_98 = arith.constant 75264 : i32
    %dma_wait3A_99 = tpu.memref_slice %arg3[%dma_wait3A_90, %add3A, %dma_wait3A_98] : memref<26x32x100000xf32, #tpu.memory_space<hbm>> -> memref<1x1x24704xf32, #tpu.memory_space<hbm>>
    %dma_wait3A_100 = tpu.memref_squeeze %dma_wait3A_99 : memref<1x1x24704xf32, #tpu.memory_space<hbm>> -> memref<24704xf32, #tpu.memory_space<hbm>>
    tpu.wait_dma2 semaphore(%arg9 : memref<!tpu.dma_semaphore, #tpu.memory_space<semaphore_mem>>) src(%dma_wait3A_100 : memref<24704xf32, #tpu.memory_space<hbm>>) dst(%dma_wait3A_97 : memref<24704xf32, #tpu.memory_space<vmem>>)
    %dma_wait3A_101 = arith.constant 0 : i32
    %dma_wait3A_102 = arith.constant 99968 : i32
    %dma_wait3A_103 = tpu.memref_slice %arg3[%dma_wait3A_101, %add3A, %dma_wait3A_102] : memref<26x32x100000xf32, #tpu.memory_space<hbm>> -> memref<1x1x32xf32, #tpu.memory_space<hbm>>
    %dma_wait3A_104 = tpu.memref_squeeze %dma_wait3A_103 : memref<1x1x32xf32, #tpu.memory_space<hbm>> -> memref<32xf32, #tpu.memory_space<hbm>>
    %dma_wait3A_105 = arith.constant 99968 : i32
    %dma_wait3A_106 = tpu.memref_slice %arg3[%dma_wait3A_101, %add3A, %dma_wait3A_105] : memref<26x32x100000xf32, #tpu.memory_space<hbm>> -> memref<1x1x32xf32, #tpu.memory_space<hbm>>
    %dma_wait3A_107 = tpu.memref_squeeze %dma_wait3A_106 : memref<1x1x32xf32, #tpu.memory_space<hbm>> -> memref<32xf32, #tpu.memory_space<hbm>>
    tpu.wait_dma2 semaphore(%arg10 : memref<!tpu.dma_semaphore, #tpu.memory_space<semaphore_mem>>) src(%dma_wait3A_107 : memref<32xf32, #tpu.memory_space<hbm>>) dst(%arg6 : memref<32xf32, #tpu.memory_space<vmem>>)
    %get3A = arith.constant 0 : index
    %get3A_108 = tpu.vector_load %arg6[%get3A] {strides = array<i32>} : memref<32xf32, #tpu.memory_space<vmem>>, vector<16xf32>,
    %swap3A = arith.constant 99968 : index
    %swap3A_109 = tpu.vector_load %arg5[%swap3A] {strides = array<i32>} : memref<100000xf32, #tpu.memory_space<vmem>>, vector<16xf32>,
    tpu.vector_store %arg5[%swap3A], %get3A_108 {strides = array<i32>} : memref<100000xf32, #tpu.memory_space<vmem>>, vector<16xf32>,
    %get3A_110 = arith.constant 16 : index
    %get3A_111 = tpu.vector_load %arg6[%get3A_110] {strides = array<i32>} : memref<32xf32, #tpu.memory_space<vmem>>, vector<16xf32>,
    %swap3A_112 = arith.constant 99984 : index
    %swap3A_113 = tpu.vector_load %arg5[%swap3A_112] {strides = array<i32>} : memref<100000xf32, #tpu.memory_space<vmem>>, vector<16xf32>,
    tpu.vector_store %arg5[%swap3A_112], %get3A_111 {strides = array<i32>} : memref<100000xf32, #tpu.memory_space<vmem>>, vector<16xf32>,
    %dma_wait3A_114 = arith.constant 0 : i32
    %dma_wait3A_115 = arith.constant 0 : i32
    %dma_wait3A_116 = tpu.memref_slice %arg2[%dma_wait3A_114, %dma_wait3A_115] : memref<26x16384xi32, #tpu.memory_space<hbm>> -> memref<1x8192xi32, #tpu.memory_space<hbm>>
    %dma_wait3A_117 = tpu.memref_squeeze %dma_wait3A_116 : memref<1x8192xi32, #tpu.memory_space<hbm>> -> memref<8192xi32, #tpu.memory_space<hbm>>
    %dma_wait3A_118 = arith.constant 0 : i32
    %dma_wait3A_119 = tpu.memref_slice %arg2[%dma_wait3A_114, %dma_wait3A_118] : memref<26x16384xi32, #tpu.memory_space<hbm>> -> memref<1x8192xi32, #tpu.memory_space<hbm>>
    %dma_wait3A_120 = tpu.memref_squeeze %dma_wait3A_119 : memref<1x8192xi32, #tpu.memory_space<hbm>> -> memref<8192xi32, #tpu.memory_space<hbm>>
    tpu.wait_dma2 semaphore(%arg11 : memref<!tpu.dma_semaphore, #tpu.memory_space<semaphore_mem>>) src(%dma_wait3A_120 : memref<8192xi32, #tpu.memory_space<hbm>>) dst(%arg7 : memref<8192xi32, #tpu.memory_space<vmem>>)
    %scan3A = arith.constant 0 : i32
    %scan3A_121 = arith.constant 0 : i32
    %scan3A_122 = arith.constant 512 : i32
    %scan3A_123 = arith.addi %scan3A_121, %scan3A_122 : i32
    %scan3A_124 = arith.constant 8 : i32
    scf.for %scan3A_152 = %scan3A_121 to %scan3A_123 step %scan3A_124  : i32 {
      %mul3A_153 = arith.constant 16 : i32
      %mul3A_154 = arith.muli %scan3A_152, %mul3A_153 : i32
      %get3A_155 = arith.index_cast %mul3A_154 : i32 to index
      %get3A_156 = tpu.vector_load %arg7[%get3A_155] {strides = array<i32>} : memref<8192xi32, #tpu.memory_space<vmem>>, vector<16xi32>,
      %gather3A = tpu.vector_load_idx %arg5[%get3A_156] : memref<100000xf32, #tpu.memory_space<vmem>>[vector<16xi32>], vector<16xf32>,
      %mul3A_157 = arith.constant 16 : i32
      %mul3A_158 = arith.muli %scan3A_152, %mul3A_157 : i32
      %add3A_159 = arith.constant 0 : i32
      %add3A_160 = arith.addi %add3A_159, %mul3A_158 : i32
      %swap3A_161 = arith.index_cast %add3A_160 : i32 to index
      %swap3A_162 = tpu.vector_load %arg8[%swap3A_161] {strides = array<i32>} : memref<16384xf32, #tpu.memory_space<vmem>>, vector<16xf32>,
      tpu.vector_store %arg8[%swap3A_161], %gather3A {strides = array<i32>} : memref<16384xf32, #tpu.memory_space<vmem>>, vector<16xf32>,
      %scan3A_163 = arith.constant 1 : i32
      %scan3A_164 = arith.addi %scan3A_152, %scan3A_163 : i32
      %mul3A_165 = arith.constant 16 : i32
      %mul3A_166 = arith.muli %scan3A_164, %mul3A_165 : i32
      %get3A_167 = arith.index_cast %mul3A_166 : i32 to index
      %get3A_168 = tpu.vector_load %arg7[%get3A_167] {strides = array<i32>} : memref<8192xi32, #tpu.memory_space<vmem>>, vector<16xi32>,
      %gather3A_169 = tpu.vector_load_idx %arg5[%get3A_168] : memref<100000xf32, #tpu.memory_space<vmem>>[vector<16xi32>], vector<16xf32>,
      %mul3A_170 = arith.constant 16 : i32
      %mul3A_171 = arith.muli %scan3A_164, %mul3A_170 : i32
      %add3A_172 = arith.constant 0 : i32
      %add3A_173 = arith.addi %add3A_172, %mul3A_171 : i32
      %swap3A_174 = arith.index_cast %add3A_173 : i32 to index
      %swap3A_175 = tpu.vector_load %arg8[%swap3A_174] {strides = array<i32>} : memref<16384xf32, #tpu.memory_space<vmem>>, vector<16xf32>,
      tpu.vector_store %arg8[%swap3A_174], %gather3A_169 {strides = array<i32>} : memref<16384xf32, #tpu.memory_space<vmem>>, vector<16xf32>,
      %scan3A_176 = arith.constant 2 : i32
      %scan3A_177 = arith.addi %scan3A_152, %scan3A_176 : i32
      %mul3A_178 = arith.constant 16 : i32
      %mul3A_179 = arith.muli %scan3A_177, %mul3A_178 : i32
      %get3A_180 = arith.index_cast %mul3A_179 : i32 to index
      %get3A_181 = tpu.vector_load %arg7[%get3A_180] {strides = array<i32>} : memref<8192xi32, #tpu.memory_space<vmem>>, vector<16xi32>,
      %gather3A_182 = tpu.vector_load_idx %arg5[%get3A_181] : memref<100000xf32, #tpu.memory_space<vmem>>[vector<16xi32>], vector<16xf32>,
      %mul3A_183 = arith.constant 16 : i32
      %mul3A_184 = arith.muli %scan3A_177, %mul3A_183 : i32
      %add3A_185 = arith.constant 0 : i32
      %add3A_186 = arith.addi %add3A_185, %mul3A_184 : i32
      %swap3A_187 = arith.index_cast %add3A_186 : i32 to index
      %swap3A_188 = tpu.vector_load %arg8[%swap3A_187] {strides = array<i32>} : memref<16384xf32, #tpu.memory_space<vmem>>, vector<16xf32>,
      tpu.vector_store %arg8[%swap3A_187], %gather3A_182 {strides = array<i32>} : memref<16384xf32, #tpu.memory_space<vmem>>, vector<16xf32>,
      %scan3A_189 = arith.constant 3 : i32
      %scan3A_190 = arith.addi %scan3A_152, %scan3A_189 : i32
      %mul3A_191 = arith.constant 16 : i32
      %mul3A_192 = arith.muli %scan3A_190, %mul3A_191 : i32
      %get3A_193 = arith.index_cast %mul3A_192 : i32 to index
      %get3A_194 = tpu.vector_load %arg7[%get3A_193] {strides = array<i32>} : memref<8192xi32, #tpu.memory_space<vmem>>, vector<16xi32>,
      %gather3A_195 = tpu.vector_load_idx %arg5[%get3A_194] : memref<100000xf32, #tpu.memory_space<vmem>>[vector<16xi32>], vector<16xf32>,
      %mul3A_196 = arith.constant 16 : i32
      %mul3A_197 = arith.muli %scan3A_190, %mul3A_196 : i32
      %add3A_198 = arith.constant 0 : i32
      %add3A_199 = arith.addi %add3A_198, %mul3A_197 : i32
      %swap3A_200 = arith.index_cast %add3A_199 : i32 to index
      %swap3A_201 = tpu.vector_load %arg8[%swap3A_200] {strides = array<i32>} : memref<16384xf32, #tpu.memory_space<vmem>>, vector<16xf32>,
      tpu.vector_store %arg8[%swap3A_200], %gather3A_195 {strides = array<i32>} : memref<16384xf32, #tpu.memory_space<vmem>>, vector<16xf32>,
      %scan3A_202 = arith.constant 4 : i32
      %scan3A_203 = arith.addi %scan3A_152, %scan3A_202 : i32
      %mul3A_204 = arith.constant 16 : i32
      %mul3A_205 = arith.muli %scan3A_203, %mul3A_204 : i32
      %get3A_206 = arith.index_cast %mul3A_205 : i32 to index
      %get3A_207 = tpu.vector_load %arg7[%get3A_206] {strides = array<i32>} : memref<8192xi32, #tpu.memory_space<vmem>>, vector<16xi32>,
      %gather3A_208 = tpu.vector_load_idx %arg5[%get3A_207] : memref<100000xf32, #tpu.memory_space<vmem>>[vector<16xi32>], vector<16xf32>,
      %mul3A_209 = arith.constant 16 : i32
      %mul3A_210 = arith.muli %scan3A_203, %mul3A_209 : i32
      %add3A_211 = arith.constant 0 : i32
      %add3A_212 = arith.addi %add3A_211, %mul3A_210 : i32
      %swap3A_213 = arith.index_cast %add3A_212 : i32 to index
      %swap3A_214 = tpu.vector_load %arg8[%swap3A_213] {strides = array<i32>} : memref<16384xf32, #tpu.memory_space<vmem>>, vector<16xf32>,
      tpu.vector_store %arg8[%swap3A_213], %gather3A_208 {strides = array<i32>} : memref<16384xf32, #tpu.memory_space<vmem>>, vector<16xf32>,
      %scan3A_215 = arith.constant 5 : i32
      %scan3A_216 = arith.addi %scan3A_152, %scan3A_215 : i32
      %mul3A_217 = arith.constant 16 : i32
      %mul3A_218 = arith.muli %scan3A_216, %mul3A_217 : i32
      %get3A_219 = arith.index_cast %mul3A_218 : i32 to index
      %get3A_220 = tpu.vector_load %arg7[%get3A_219] {strides = array<i32>} : memref<8192xi32, #tpu.memory_space<vmem>>, vector<16xi32>,
      %gather3A_221 = tpu.vector_load_idx %arg5[%get3A_220] : memref<100000xf32, #tpu.memory_space<vmem>>[vector<16xi32>], vector<16xf32>,
      %mul3A_222 = arith.constant 16 : i32
      %mul3A_223 = arith.muli %scan3A_216, %mul3A_222 : i32
      %add3A_224 = arith.constant 0 : i32
      %add3A_225 = arith.addi %add3A_224, %mul3A_223 : i32
      %swap3A_226 = arith.index_cast %add3A_225 : i32 to index
      %swap3A_227 = tpu.vector_load %arg8[%swap3A_226] {strides = array<i32>} : memref<16384xf32, #tpu.memory_space<vmem>>, vector<16xf32>,
      tpu.vector_store %arg8[%swap3A_226], %gather3A_221 {strides = array<i32>} : memref<16384xf32, #tpu.memory_space<vmem>>, vector<16xf32>,
      %scan3A_228 = arith.constant 6 : i32
      %scan3A_229 = arith.addi %scan3A_152, %scan3A_228 : i32
      %mul3A_230 = arith.constant 16 : i32
      %mul3A_231 = arith.muli %scan3A_229, %mul3A_230 : i32
      %get3A_232 = arith.index_cast %mul3A_231 : i32 to index
      %get3A_233 = tpu.vector_load %arg7[%get3A_232] {strides = array<i32>} : memref<8192xi32, #tpu.memory_space<vmem>>, vector<16xi32>,
      %gather3A_234 = tpu.vector_load_idx %arg5[%get3A_233] : memref<100000xf32, #tpu.memory_space<vmem>>[vector<16xi32>], vector<16xf32>,
      %mul3A_235 = arith.constant 16 : i32
      %mul3A_236 = arith.muli %scan3A_229, %mul3A_235 : i32
      %add3A_237 = arith.constant 0 : i32
      %add3A_238 = arith.addi %add3A_237, %mul3A_236 : i32
      %swap3A_239 = arith.index_cast %add3A_238 : i32 to index
      %swap3A_240 = tpu.vector_load %arg8[%swap3A_239] {strides = array<i32>} : memref<16384xf32, #tpu.memory_space<vmem>>, vector<16xf32>,
      tpu.vector_store %arg8[%swap3A_239], %gather3A_234 {strides = array<i32>} : memref<16384xf32, #tpu.memory_space<vmem>>, vector<16xf32>,
      %scan3A_241 = arith.constant 7 : i32
      %scan3A_242 = arith.addi %scan3A_152, %scan3A_241 : i32
      %mul3A_243 = arith.constant 16 : i32
      %mul3A_244 = arith.muli %scan3A_242, %mul3A_243 : i32
      %get3A_245 = arith.index_cast %mul3A_244 : i32 to index
      %get3A_246 = tpu.vector_load %arg7[%get3A_245] {strides = array<i32>} : memref<8192xi32, #tpu.memory_space<vmem>>, vector<16xi32>,
      %gather3A_247 = tpu.vector_load_idx %arg5[%get3A_246] : memref<100000xf32, #tpu.memory_space<vmem>>[vector<16xi32>], vector<16xf32>,
      %mul3A_248 = arith.constant 16 : i32
      %mul3A_249 = arith.muli %scan3A_242, %mul3A_248 : i32
      %add3A_250 = arith.constant 0 : i32
      %add3A_251 = arith.addi %add3A_250, %mul3A_249 : i32
      %swap3A_252 = arith.index_cast %add3A_251 : i32 to index
      %swap3A_253 = tpu.vector_load %arg8[%swap3A_252] {strides = array<i32>} : memref<16384xf32, #tpu.memory_space<vmem>>, vector<16xf32>,
      tpu.vector_store %arg8[%swap3A_252], %gather3A_247 {strides = array<i32>} : memref<16384xf32, #tpu.memory_space<vmem>>, vector<16xf32>,
    }
    %scan3A_125 = arith.constant 512 : i32
    %dma_start3A_126 = arith.constant 0 : i32
    %dma_start3A_127 = arith.constant 8192 : i32
    %dma_start3A_128 = tpu.memref_slice %arg2[%dma_start3A_126, %dma_start3A_127] : memref<26x16384xi32, #tpu.memory_space<hbm>> -> memref<1x8192xi32, #tpu.memory_space<hbm>>
    %dma_start3A_129 = tpu.memref_squeeze %dma_start3A_128 : memref<1x8192xi32, #tpu.memory_space<hbm>> -> memref<8192xi32, #tpu.memory_space<hbm>>
    %dma_start3A_130 = arith.constant 8192 : i32
    %dma_start3A_131 = tpu.memref_slice %arg2[%dma_start3A_126, %dma_start3A_130] : memref<26x16384xi32, #tpu.memory_space<hbm>> -> memref<1x8192xi32, #tpu.memory_space<hbm>>
    %dma_start3A_132 = tpu.memref_squeeze %dma_start3A_131 : memref<1x8192xi32, #tpu.memory_space<hbm>> -> memref<8192xi32, #tpu.memory_space<hbm>>
    tpu.enqueue_dma source(%dma_start3A_132 : memref<8192xi32, #tpu.memory_space<hbm>>) target(%arg7 : memref<8192xi32, #tpu.memory_space<vmem>>) target_semaphore(%arg11 : memref<!tpu.dma_semaphore, #tpu.memory_space<semaphore_mem>>)
    %dma_wait3A_133 = arith.constant 0 : i32
    %dma_wait3A_134 = arith.constant 8192 : i32
    %dma_wait3A_135 = tpu.memref_slice %arg2[%dma_wait3A_133, %dma_wait3A_134] : memref<26x16384xi32, #tpu.memory_space<hbm>> -> memref<1x8192xi32, #tpu.memory_space<hbm>>
    %dma_wait3A_136 = tpu.memref_squeeze %dma_wait3A_135 : memref<1x8192xi32, #tpu.memory_space<hbm>> -> memref<8192xi32, #tpu.memory_space<hbm>>
    %dma_wait3A_137 = arith.constant 8192 : i32
    %dma_wait3A_138 = tpu.memref_slice %arg2[%dma_wait3A_133, %dma_wait3A_137] : memref<26x16384xi32, #tpu.memory_space<hbm>> -> memref<1x8192xi32, #tpu.memory_space<hbm>>
    %dma_wait3A_139 = tpu.memref_squeeze %dma_wait3A_138 : memref<1x8192xi32, #tpu.memory_space<hbm>> -> memref<8192xi32, #tpu.memory_space<hbm>>
    tpu.wait_dma2 semaphore(%arg11 : memref<!tpu.dma_semaphore, #tpu.memory_space<semaphore_mem>>) src(%dma_wait3A_139 : memref<8192xi32, #tpu.memory_space<hbm>>) dst(%arg7 : memref<8192xi32, #tpu.memory_space<vmem>>)
    %scan3A_140 = arith.constant 0 : i32
    %scan3A_141 = arith.constant 0 : i32
    %scan3A_142 = arith.constant 512 : i32
    %scan3A_143 = arith.addi %scan3A_141, %scan3A_142 : i32
    %scan3A_144 = arith.constant 8 : i32
    scf.for %scan3A_152 = %scan3A_141 to %scan3A_143 step %scan3A_144  : i32 {
      %mul3A_153 = arith.constant 16 : i32
      %mul3A_154 = arith.muli %scan3A_152, %mul3A_153 : i32
      %get3A_155 = arith.index_cast %mul3A_154 : i32 to index
      %get3A_156 = tpu.vector_load %arg7[%get3A_155] {strides = array<i32>} : memref<8192xi32, #tpu.memory_space<vmem>>, vector<16xi32>,
      %gather3A = tpu.vector_load_idx %arg5[%get3A_156] : memref<100000xf32, #tpu.memory_space<vmem>>[vector<16xi32>], vector<16xf32>,
      %mul3A_157 = arith.constant 16 : i32
      %mul3A_158 = arith.muli %scan3A_152, %mul3A_157 : i32
      %add3A_159 = arith.constant 8192 : i32
      %add3A_160 = arith.addi %add3A_159, %mul3A_158 : i32
      %swap3A_161 = arith.index_cast %add3A_160 : i32 to index
      %swap3A_162 = tpu.vector_load %arg8[%swap3A_161] {strides = array<i32>} : memref<16384xf32, #tpu.memory_space<vmem>>, vector<16xf32>,
      tpu.vector_store %arg8[%swap3A_161], %gather3A {strides = array<i32>} : memref<16384xf32, #tpu.memory_space<vmem>>, vector<16xf32>,
      %scan3A_163 = arith.constant 1 : i32
      %scan3A_164 = arith.addi %scan3A_152, %scan3A_163 : i32
      %mul3A_165 = arith.constant 16 : i32
      %mul3A_166 = arith.muli %scan3A_164, %mul3A_165 : i32
      %get3A_167 = arith.index_cast %mul3A_166 : i32 to index
      %get3A_168 = tpu.vector_load %arg7[%get3A_167] {strides = array<i32>} : memref<8192xi32, #tpu.memory_space<vmem>>, vector<16xi32>,
      %gather3A_169 = tpu.vector_load_idx %arg5[%get3A_168] : memref<100000xf32, #tpu.memory_space<vmem>>[vector<16xi32>], vector<16xf32>,
      %mul3A_170 = arith.constant 16 : i32
      %mul3A_171 = arith.muli %scan3A_164, %mul3A_170 : i32
      %add3A_172 = arith.constant 8192 : i32
      %add3A_173 = arith.addi %add3A_172, %mul3A_171 : i32
      %swap3A_174 = arith.index_cast %add3A_173 : i32 to index
      %swap3A_175 = tpu.vector_load %arg8[%swap3A_174] {strides = array<i32>} : memref<16384xf32, #tpu.memory_space<vmem>>, vector<16xf32>,
      tpu.vector_store %arg8[%swap3A_174], %gather3A_169 {strides = array<i32>} : memref<16384xf32, #tpu.memory_space<vmem>>, vector<16xf32>,
      %scan3A_176 = arith.constant 2 : i32
      %scan3A_177 = arith.addi %scan3A_152, %scan3A_176 : i32
      %mul3A_178 = arith.constant 16 : i32
      %mul3A_179 = arith.muli %scan3A_177, %mul3A_178 : i32
      %get3A_180 = arith.index_cast %mul3A_179 : i32 to index
      %get3A_181 = tpu.vector_load %arg7[%get3A_180] {strides = array<i32>} : memref<8192xi32, #tpu.memory_space<vmem>>, vector<16xi32>,
      %gather3A_182 = tpu.vector_load_idx %arg5[%get3A_181] : memref<100000xf32, #tpu.memory_space<vmem>>[vector<16xi32>], vector<16xf32>,
      %mul3A_183 = arith.constant 16 : i32
      %mul3A_184 = arith.muli %scan3A_177, %mul3A_183 : i32
      %add3A_185 = arith.constant 8192 : i32
      %add3A_186 = arith.addi %add3A_185, %mul3A_184 : i32
      %swap3A_187 = arith.index_cast %add3A_186 : i32 to index
      %swap3A_188 = tpu.vector_load %arg8[%swap3A_187] {strides = array<i32>} : memref<16384xf32, #tpu.memory_space<vmem>>, vector<16xf32>,
      tpu.vector_store %arg8[%swap3A_187], %gather3A_182 {strides = array<i32>} : memref<16384xf32, #tpu.memory_space<vmem>>, vector<16xf32>,
      %scan3A_189 = arith.constant 3 : i32
      %scan3A_190 = arith.addi %scan3A_152, %scan3A_189 : i32
      %mul3A_191 = arith.constant 16 : i32
      %mul3A_192 = arith.muli %scan3A_190, %mul3A_191 : i32
      %get3A_193 = arith.index_cast %mul3A_192 : i32 to index
      %get3A_194 = tpu.vector_load %arg7[%get3A_193] {strides = array<i32>} : memref<8192xi32, #tpu.memory_space<vmem>>, vector<16xi32>,
      %gather3A_195 = tpu.vector_load_idx %arg5[%get3A_194] : memref<100000xf32, #tpu.memory_space<vmem>>[vector<16xi32>], vector<16xf32>,
      %mul3A_196 = arith.constant 16 : i32
      %mul3A_197 = arith.muli %scan3A_190, %mul3A_196 : i32
      %add3A_198 = arith.constant 8192 : i32
      %add3A_199 = arith.addi %add3A_198, %mul3A_197 : i32
      %swap3A_200 = arith.index_cast %add3A_199 : i32 to index
      %swap3A_201 = tpu.vector_load %arg8[%swap3A_200] {strides = array<i32>} : memref<16384xf32, #tpu.memory_space<vmem>>, vector<16xf32>,
      tpu.vector_store %arg8[%swap3A_200], %gather3A_195 {strides = array<i32>} : memref<16384xf32, #tpu.memory_space<vmem>>, vector<16xf32>,
      %scan3A_202 = arith.constant 4 : i32
      %scan3A_203 = arith.addi %scan3A_152, %scan3A_202 : i32
      %mul3A_204 = arith.constant 16 : i32
      %mul3A_205 = arith.muli %scan3A_203, %mul3A_204 : i32
      %get3A_206 = arith.index_cast %mul3A_205 : i32 to index
      %get3A_207 = tpu.vector_load %arg7[%get3A_206] {strides = array<i32>} : memref<8192xi32, #tpu.memory_space<vmem>>, vector<16xi32>,
      %gather3A_208 = tpu.vector_load_idx %arg5[%get3A_207] : memref<100000xf32, #tpu.memory_space<vmem>>[vector<16xi32>], vector<16xf32>,
      %mul3A_209 = arith.constant 16 : i32
      %mul3A_210 = arith.muli %scan3A_203, %mul3A_209 : i32
      %add3A_211 = arith.constant 8192 : i32
      %add3A_212 = arith.addi %add3A_211, %mul3A_210 : i32
      %swap3A_213 = arith.index_cast %add3A_212 : i32 to index
      %swap3A_214 = tpu.vector_load %arg8[%swap3A_213] {strides = array<i32>} : memref<16384xf32, #tpu.memory_space<vmem>>, vector<16xf32>,
      tpu.vector_store %arg8[%swap3A_213], %gather3A_208 {strides = array<i32>} : memref<16384xf32, #tpu.memory_space<vmem>>, vector<16xf32>,
      %scan3A_215 = arith.constant 5 : i32
      %scan3A_216 = arith.addi %scan3A_152, %scan3A_215 : i32
      %mul3A_217 = arith.constant 16 : i32
      %mul3A_218 = arith.muli %scan3A_216, %mul3A_217 : i32
      %get3A_219 = arith.index_cast %mul3A_218 : i32 to index
      %get3A_220 = tpu.vector_load %arg7[%get3A_219] {strides = array<i32>} : memref<8192xi32, #tpu.memory_space<vmem>>, vector<16xi32>,
      %gather3A_221 = tpu.vector_load_idx %arg5[%get3A_220] : memref<100000xf32, #tpu.memory_space<vmem>>[vector<16xi32>], vector<16xf32>,
      %mul3A_222 = arith.constant 16 : i32
      %mul3A_223 = arith.muli %scan3A_216, %mul3A_222 : i32
      %add3A_224 = arith.constant 8192 : i32
      %add3A_225 = arith.addi %add3A_224, %mul3A_223 : i32
      %swap3A_226 = arith.index_cast %add3A_225 : i32 to index
      %swap3A_227 = tpu.vector_load %arg8[%swap3A_226] {strides = array<i32>} : memref<16384xf32, #tpu.memory_space<vmem>>, vector<16xf32>,
      tpu.vector_store %arg8[%swap3A_226], %gather3A_221 {strides = array<i32>} : memref<16384xf32, #tpu.memory_space<vmem>>, vector<16xf32>,
      %scan3A_228 = arith.constant 6 : i32
      %scan3A_229 = arith.addi %scan3A_152, %scan3A_228 : i32
      %mul3A_230 = arith.constant 16 : i32
      %mul3A_231 = arith.muli %scan3A_229, %mul3A_230 : i32
      %get3A_232 = arith.index_cast %mul3A_231 : i32 to index
      %get3A_233 = tpu.vector_load %arg7[%get3A_232] {strides = array<i32>} : memref<8192xi32, #tpu.memory_space<vmem>>, vector<16xi32>,
      %gather3A_234 = tpu.vector_load_idx %arg5[%get3A_233] : memref<100000xf32, #tpu.memory_space<vmem>>[vector<16xi32>], vector<16xf32>,
      %mul3A_235 = arith.constant 16 : i32
      %mul3A_236 = arith.muli %scan3A_229, %mul3A_235 : i32
      %add3A_237 = arith.constant 8192 : i32
      %add3A_238 = arith.addi %add3A_237, %mul3A_236 : i32
      %swap3A_239 = arith.index_cast %add3A_238 : i32 to index
      %swap3A_240 = tpu.vector_load %arg8[%swap3A_239] {strides = array<i32>} : memref<16384xf32, #tpu.memory_space<vmem>>, vector<16xf32>,
      tpu.vector_store %arg8[%swap3A_239], %gather3A_234 {strides = array<i32>} : memref<16384xf32, #tpu.memory_space<vmem>>, vector<16xf32>,
      %scan3A_241 = arith.constant 7 : i32
      %scan3A_242 = arith.addi %scan3A_152, %scan3A_241 : i32
      %mul3A_243 = arith.constant 16 : i32
      %mul3A_244 = arith.muli %scan3A_242, %mul3A_243 : i32
      %get3A_245 = arith.index_cast %mul3A_244 : i32 to index
      %get3A_246 = tpu.vector_load %arg7[%get3A_245] {strides = array<i32>} : memref<8192xi32, #tpu.memory_space<vmem>>, vector<16xi32>,
      %gather3A_247 = tpu.vector_load_idx %arg5[%get3A_246] : memref<100000xf32, #tpu.memory_space<vmem>>[vector<16xi32>], vector<16xf32>,
      %mul3A_248 = arith.constant 16 : i32
      %mul3A_249 = arith.muli %scan3A_242, %mul3A_248 : i32
      %add3A_250 = arith.constant 8192 : i32
      %add3A_251 = arith.addi %add3A_250, %mul3A_249 : i32
      %swap3A_252 = arith.index_cast %add3A_251 : i32 to index
      %swap3A_253 = tpu.vector_load %arg8[%swap3A_252] {strides = array<i32>} : memref<16384xf32, #tpu.memory_space<vmem>>, vector<16xf32>,
      tpu.vector_store %arg8[%swap3A_252], %gather3A_247 {strides = array<i32>} : memref<16384xf32, #tpu.memory_space<vmem>>, vector<16xf32>,
    }
    %scan3A_145 = arith.constant 512 : i32
    %scan3A_146 = arith.constant 0 : i32
    %scan3A_147 = arith.constant 1 : i32
    %scan3A_148 = arith.constant 25 : i32
    %scan3A_149 = arith.addi %scan3A_147, %scan3A_148 : i32
    %scan3A_150 = arith.constant 1 : i32
    scf.for %scan3A_152 = %scan3A_147 to %scan3A_149 step %scan3A_150  : i32 {
      %dma_start3A_153 = arith.constant 0 : i32
      %dma_start3A_154 = tpu.memref_slice %arg5[%dma_start3A_153] : memref<100000xf32, #tpu.memory_space<vmem>> -> memref<25088xf32, #tpu.memory_space<vmem>>
      %dma_start3A_155 = arith.constant 0 : i32
      %dma_start3A_156 = tpu.memref_slice %arg3[%scan3A_152, %add3A, %dma_start3A_155] : memref<26x32x100000xf32, #tpu.memory_space<hbm>> -> memref<1x1x25088xf32, #tpu.memory_space<hbm>>
      %dma_start3A_157 = tpu.memref_squeeze %dma_start3A_156 : memref<1x1x25088xf32, #tpu.memory_space<hbm>> -> memref<25088xf32, #tpu.memory_space<hbm>>
      %dma_start3A_158 = arith.constant 0 : i32
      %dma_start3A_159 = tpu.memref_slice %arg5[%dma_start3A_158] : memref<100000xf32, #tpu.memory_space<vmem>> -> memref<25088xf32, #tpu.memory_space<vmem>>
      %dma_start3A_160 = arith.constant 0 : i32
      %dma_start3A_161 = tpu.memref_slice %arg3[%scan3A_152, %add3A, %dma_start3A_160] : memref<26x32x100000xf32, #tpu.memory_space<hbm>> -> memref<1x1x25088xf32, #tpu.memory_space<hbm>>
      %dma_start3A_162 = tpu.memref_squeeze %dma_start3A_161 : memref<1x1x25088xf32, #tpu.memory_space<hbm>> -> memref<25088xf32, #tpu.memory_space<hbm>>
      tpu.enqueue_dma source(%dma_start3A_162 : memref<25088xf32, #tpu.memory_space<hbm>>) target(%dma_start3A_159 : memref<25088xf32, #tpu.memory_space<vmem>>) target_semaphore(%arg9 : memref<!tpu.dma_semaphore, #tpu.memory_space<semaphore_mem>>)
      %dma_start3A_163 = arith.constant 25088 : i32
      %dma_start3A_164 = tpu.memref_slice %arg5[%dma_start3A_163] : memref<100000xf32, #tpu.memory_space<vmem>> -> memref<25088xf32, #tpu.memory_space<vmem>>
      %dma_start3A_165 = arith.constant 25088 : i32
      %dma_start3A_166 = tpu.memref_slice %arg3[%scan3A_152, %add3A, %dma_start3A_165] : memref<26x32x100000xf32, #tpu.memory_space<hbm>> -> memref<1x1x25088xf32, #tpu.memory_space<hbm>>
      %dma_start3A_167 = tpu.memref_squeeze %dma_start3A_166 : memref<1x1x25088xf32, #tpu.memory_space<hbm>> -> memref<25088xf32, #tpu.memory_space<hbm>>
      %dma_start3A_168 = arith.constant 25088 : i32
      %dma_start3A_169 = tpu.memref_slice %arg5[%dma_start3A_168] : memref<100000xf32, #tpu.memory_space<vmem>> -> memref<25088xf32, #tpu.memory_space<vmem>>
      %dma_start3A_170 = arith.constant 25088 : i32
      %dma_start3A_171 = tpu.memref_slice %arg3[%scan3A_152, %add3A, %dma_start3A_170] : memref<26x32x100000xf32, #tpu.memory_space<hbm>> -> memref<1x1x25088xf32, #tpu.memory_space<hbm>>
      %dma_start3A_172 = tpu.memref_squeeze %dma_start3A_171 : memref<1x1x25088xf32, #tpu.memory_space<hbm>> -> memref<25088xf32, #tpu.memory_space<hbm>>
      tpu.enqueue_dma source(%dma_start3A_172 : memref<25088xf32, #tpu.memory_space<hbm>>) target(%dma_start3A_169 : memref<25088xf32, #tpu.memory_space<vmem>>) target_semaphore(%arg9 : memref<!tpu.dma_semaphore, #tpu.memory_space<semaphore_mem>>)
      %dma_start3A_173 = arith.constant 50176 : i32
      %dma_start3A_174 = tpu.memref_slice %arg5[%dma_start3A_173] : memref<100000xf32, #tpu.memory_space<vmem>> -> memref<25088xf32, #tpu.memory_space<vmem>>
      %dma_start3A_175 = arith.constant 50176 : i32
      %dma_start3A_176 = tpu.memref_slice %arg3[%scan3A_152, %add3A, %dma_start3A_175] : memref<26x32x100000xf32, #tpu.memory_space<hbm>> -> memref<1x1x25088xf32, #tpu.memory_space<hbm>>
      %dma_start3A_177 = tpu.memref_squeeze %dma_start3A_176 : memref<1x1x25088xf32, #tpu.memory_space<hbm>> -> memref<25088xf32, #tpu.memory_space<hbm>>
      %dma_start3A_178 = arith.constant 50176 : i32
      %dma_start3A_179 = tpu.memref_slice %arg5[%dma_start3A_178] : memref<100000xf32, #tpu.memory_space<vmem>> -> memref<25088xf32, #tpu.memory_space<vmem>>
      %dma_start3A_180 = arith.constant 50176 : i32
      %dma_start3A_181 = tpu.memref_slice %arg3[%scan3A_152, %add3A, %dma_start3A_180] : memref<26x32x100000xf32, #tpu.memory_space<hbm>> -> memref<1x1x25088xf32, #tpu.memory_space<hbm>>
      %dma_start3A_182 = tpu.memref_squeeze %dma_start3A_181 : memref<1x1x25088xf32, #tpu.memory_space<hbm>> -> memref<25088xf32, #tpu.memory_space<hbm>>
      tpu.enqueue_dma source(%dma_start3A_182 : memref<25088xf32, #tpu.memory_space<hbm>>) target(%dma_start3A_179 : memref<25088xf32, #tpu.memory_space<vmem>>) target_semaphore(%arg9 : memref<!tpu.dma_semaphore, #tpu.memory_space<semaphore_mem>>)
      %dma_start3A_183 = arith.constant 75264 : i32
      %dma_start3A_184 = tpu.memref_slice %arg5[%dma_start3A_183] : memref<100000xf32, #tpu.memory_space<vmem>> -> memref<24704xf32, #tpu.memory_space<vmem>>
      %dma_start3A_185 = arith.constant 75264 : i32
      %dma_start3A_186 = tpu.memref_slice %arg3[%scan3A_152, %add3A, %dma_start3A_185] : memref<26x32x100000xf32, #tpu.memory_space<hbm>> -> memref<1x1x24704xf32, #tpu.memory_space<hbm>>
      %dma_start3A_187 = tpu.memref_squeeze %dma_start3A_186 : memref<1x1x24704xf32, #tpu.memory_space<hbm>> -> memref<24704xf32, #tpu.memory_space<hbm>>
      %dma_start3A_188 = arith.constant 75264 : i32
      %dma_start3A_189 = tpu.memref_slice %arg5[%dma_start3A_188] : memref<100000xf32, #tpu.memory_space<vmem>> -> memref<24704xf32, #tpu.memory_space<vmem>>
      %dma_start3A_190 = arith.constant 75264 : i32
      %dma_start3A_191 = tpu.memref_slice %arg3[%scan3A_152, %add3A, %dma_start3A_190] : memref<26x32x100000xf32, #tpu.memory_space<hbm>> -> memref<1x1x24704xf32, #tpu.memory_space<hbm>>
      %dma_start3A_192 = tpu.memref_squeeze %dma_start3A_191 : memref<1x1x24704xf32, #tpu.memory_space<hbm>> -> memref<24704xf32, #tpu.memory_space<hbm>>
      tpu.enqueue_dma source(%dma_start3A_192 : memref<24704xf32, #tpu.memory_space<hbm>>) target(%dma_start3A_189 : memref<24704xf32, #tpu.memory_space<vmem>>) target_semaphore(%arg9 : memref<!tpu.dma_semaphore, #tpu.memory_space<semaphore_mem>>)
      %dma_start3A_193 = arith.constant 99968 : i32
      %dma_start3A_194 = tpu.memref_slice %arg3[%scan3A_152, %add3A, %dma_start3A_193] : memref<26x32x100000xf32, #tpu.memory_space<hbm>> -> memref<1x1x32xf32, #tpu.memory_space<hbm>>
      %dma_start3A_195 = tpu.memref_squeeze %dma_start3A_194 : memref<1x1x32xf32, #tpu.memory_space<hbm>> -> memref<32xf32, #tpu.memory_space<hbm>>
      %dma_start3A_196 = arith.constant 99968 : i32
      %dma_start3A_197 = tpu.memref_slice %arg3[%scan3A_152, %add3A, %dma_start3A_196] : memref<26x32x100000xf32, #tpu.memory_space<hbm>> -> memref<1x1x32xf32, #tpu.memory_space<hbm>>
      %dma_start3A_198 = tpu.memref_squeeze %dma_start3A_197 : memref<1x1x32xf32, #tpu.memory_space<hbm>> -> memref<32xf32, #tpu.memory_space<hbm>>
      tpu.enqueue_dma source(%dma_start3A_198 : memref<32xf32, #tpu.memory_space<hbm>>) target(%arg6 : memref<32xf32, #tpu.memory_space<vmem>>) target_semaphore(%arg10 : memref<!tpu.dma_semaphore, #tpu.memory_space<semaphore_mem>>)
      %dma_start3A_199 = arith.constant 0 : i32
      %dma_start3A_200 = tpu.memref_slice %arg2[%scan3A_152, %dma_start3A_199] : memref<26x16384xi32, #tpu.memory_space<hbm>> -> memref<1x8192xi32, #tpu.memory_space<hbm>>
      %dma_start3A_201 = tpu.memref_squeeze %dma_start3A_200 : memref<1x8192xi32, #tpu.memory_space<hbm>> -> memref<8192xi32, #tpu.memory_space<hbm>>
      %dma_start3A_202 = arith.constant 0 : i32
      %dma_start3A_203 = tpu.memref_slice %arg2[%scan3A_152, %dma_start3A_202] : memref<26x16384xi32, #tpu.memory_space<hbm>> -> memref<1x8192xi32, #tpu.memory_space<hbm>>
      %dma_start3A_204 = tpu.memref_squeeze %dma_start3A_203 : memref<1x8192xi32, #tpu.memory_space<hbm>> -> memref<8192xi32, #tpu.memory_space<hbm>>
      tpu.enqueue_dma source(%dma_start3A_204 : memref<8192xi32, #tpu.memory_space<hbm>>) target(%arg7 : memref<8192xi32, #tpu.memory_space<vmem>>) target_semaphore(%arg11 : memref<!tpu.dma_semaphore, #tpu.memory_space<semaphore_mem>>)
      %dma_wait3A_205 = arith.constant 0 : i32
      %dma_wait3A_206 = tpu.memref_slice %arg5[%dma_wait3A_205] : memref<100000xf32, #tpu.memory_space<vmem>> -> memref<25088xf32, #tpu.memory_space<vmem>>
      %dma_wait3A_207 = arith.constant 0 : i32
      %dma_wait3A_208 = tpu.memref_slice %arg3[%scan3A_152, %add3A, %dma_wait3A_207] : memref<26x32x100000xf32, #tpu.memory_space<hbm>> -> memref<1x1x25088xf32, #tpu.memory_space<hbm>>
      %dma_wait3A_209 = tpu.memref_squeeze %dma_wait3A_208 : memref<1x1x25088xf32, #tpu.memory_space<hbm>> -> memref<25088xf32, #tpu.memory_space<hbm>>
      %dma_wait3A_210 = arith.constant 0 : i32
      %dma_wait3A_211 = tpu.memref_slice %arg5[%dma_wait3A_210] : memref<100000xf32, #tpu.memory_space<vmem>> -> memref<25088xf32, #tpu.memory_space<vmem>>
      %dma_wait3A_212 = arith.constant 0 : i32
      %dma_wait3A_213 = tpu.memref_slice %arg3[%scan3A_152, %add3A, %dma_wait3A_212] : memref<26x32x100000xf32, #tpu.memory_space<hbm>> -> memref<1x1x25088xf32, #tpu.memory_space<hbm>>
      %dma_wait3A_214 = tpu.memref_squeeze %dma_wait3A_213 : memref<1x1x25088xf32, #tpu.memory_space<hbm>> -> memref<25088xf32, #tpu.memory_space<hbm>>
      tpu.wait_dma2 semaphore(%arg9 : memref<!tpu.dma_semaphore, #tpu.memory_space<semaphore_mem>>) src(%dma_wait3A_214 : memref<25088xf32, #tpu.memory_space<hbm>>) dst(%dma_wait3A_211 : memref<25088xf32, #tpu.memory_space<vmem>>)
      %dma_wait3A_215 = arith.constant 25088 : i32
      %dma_wait3A_216 = tpu.memref_slice %arg5[%dma_wait3A_215] : memref<100000xf32, #tpu.memory_space<vmem>> -> memref<25088xf32, #tpu.memory_space<vmem>>
      %dma_wait3A_217 = arith.constant 25088 : i32
      %dma_wait3A_218 = tpu.memref_slice %arg3[%scan3A_152, %add3A, %dma_wait3A_217] : memref<26x32x100000xf32, #tpu.memory_space<hbm>> -> memref<1x1x25088xf32, #tpu.memory_space<hbm>>
      %dma_wait3A_219 = tpu.memref_squeeze %dma_wait3A_218 : memref<1x1x25088xf32, #tpu.memory_space<hbm>> -> memref<25088xf32, #tpu.memory_space<hbm>>
      %dma_wait3A_220 = arith.constant 25088 : i32
      %dma_wait3A_221 = tpu.memref_slice %arg5[%dma_wait3A_220] : memref<100000xf32, #tpu.memory_space<vmem>> -> memref<25088xf32, #tpu.memory_space<vmem>>
      %dma_wait3A_222 = arith.constant 25088 : i32
      %dma_wait3A_223 = tpu.memref_slice %arg3[%scan3A_152, %add3A, %dma_wait3A_222] : memref<26x32x100000xf32, #tpu.memory_space<hbm>> -> memref<1x1x25088xf32, #tpu.memory_space<hbm>>
      %dma_wait3A_224 = tpu.memref_squeeze %dma_wait3A_223 : memref<1x1x25088xf32, #tpu.memory_space<hbm>> -> memref<25088xf32, #tpu.memory_space<hbm>>
      tpu.wait_dma2 semaphore(%arg9 : memref<!tpu.dma_semaphore, #tpu.memory_space<semaphore_mem>>) src(%dma_wait3A_224 : memref<25088xf32, #tpu.memory_space<hbm>>) dst(%dma_wait3A_221 : memref<25088xf32, #tpu.memory_space<vmem>>)
      %dma_wait3A_225 = arith.constant 50176 : i32
      %dma_wait3A_226 = tpu.memref_slice %arg5[%dma_wait3A_225] : memref<100000xf32, #tpu.memory_space<vmem>> -> memref<25088xf32, #tpu.memory_space<vmem>>
      %dma_wait3A_227 = arith.constant 50176 : i32
      %dma_wait3A_228 = tpu.memref_slice %arg3[%scan3A_152, %add3A, %dma_wait3A_227] : memref<26x32x100000xf32, #tpu.memory_space<hbm>> -> memref<1x1x25088xf32, #tpu.memory_space<hbm>>
      %dma_wait3A_229 = tpu.memref_squeeze %dma_wait3A_228 : memref<1x1x25088xf32, #tpu.memory_space<hbm>> -> memref<25088xf32, #tpu.memory_space<hbm>>
      %dma_wait3A_230 = arith.constant 50176 : i32
      %dma_wait3A_231 = tpu.memref_slice %arg5[%dma_wait3A_230] : memref<100000xf32, #tpu.memory_space<vmem>> -> memref<25088xf32, #tpu.memory_space<vmem>>
      %dma_wait3A_232 = arith.constant 50176 : i32
      %dma_wait3A_233 = tpu.memref_slice %arg3[%scan3A_152, %add3A, %dma_wait3A_232] : memref<26x32x100000xf32, #tpu.memory_space<hbm>> -> memref<1x1x25088xf32, #tpu.memory_space<hbm>>
      %dma_wait3A_234 = tpu.memref_squeeze %dma_wait3A_233 : memref<1x1x25088xf32, #tpu.memory_space<hbm>> -> memref<25088xf32, #tpu.memory_space<hbm>>
      tpu.wait_dma2 semaphore(%arg9 : memref<!tpu.dma_semaphore, #tpu.memory_space<semaphore_mem>>) src(%dma_wait3A_234 : memref<25088xf32, #tpu.memory_space<hbm>>) dst(%dma_wait3A_231 : memref<25088xf32, #tpu.memory_space<vmem>>)
      %dma_wait3A_235 = arith.constant 75264 : i32
      %dma_wait3A_236 = tpu.memref_slice %arg5[%dma_wait3A_235] : memref<100000xf32, #tpu.memory_space<vmem>> -> memref<24704xf32, #tpu.memory_space<vmem>>
      %dma_wait3A_237 = arith.constant 75264 : i32
      %dma_wait3A_238 = tpu.memref_slice %arg3[%scan3A_152, %add3A, %dma_wait3A_237] : memref<26x32x100000xf32, #tpu.memory_space<hbm>> -> memref<1x1x24704xf32, #tpu.memory_space<hbm>>
      %dma_wait3A_239 = tpu.memref_squeeze %dma_wait3A_238 : memref<1x1x24704xf32, #tpu.memory_space<hbm>> -> memref<24704xf32, #tpu.memory_space<hbm>>
      %dma_wait3A_240 = arith.constant 75264 : i32
      %dma_wait3A_241 = tpu.memref_slice %arg5[%dma_wait3A_240] : memref<100000xf32, #tpu.memory_space<vmem>> -> memref<24704xf32, #tpu.memory_space<vmem>>
      %dma_wait3A_242 = arith.constant 75264 : i32
      %dma_wait3A_243 = tpu.memref_slice %arg3[%scan3A_152, %add3A, %dma_wait3A_242] : memref<26x32x100000xf32, #tpu.memory_space<hbm>> -> memref<1x1x24704xf32, #tpu.memory_space<hbm>>
      %dma_wait3A_244 = tpu.memref_squeeze %dma_wait3A_243 : memref<1x1x24704xf32, #tpu.memory_space<hbm>> -> memref<24704xf32, #tpu.memory_space<hbm>>
      tpu.wait_dma2 semaphore(%arg9 : memref<!tpu.dma_semaphore, #tpu.memory_space<semaphore_mem>>) src(%dma_wait3A_244 : memref<24704xf32, #tpu.memory_space<hbm>>) dst(%dma_wait3A_241 : memref<24704xf32, #tpu.memory_space<vmem>>)
      %dma_wait3A_245 = arith.constant 99968 : i32
      %dma_wait3A_246 = tpu.memref_slice %arg3[%scan3A_152, %add3A, %dma_wait3A_245] : memref<26x32x100000xf32, #tpu.memory_space<hbm>> -> memref<1x1x32xf32, #tpu.memory_space<hbm>>
      %dma_wait3A_247 = tpu.memref_squeeze %dma_wait3A_246 : memref<1x1x32xf32, #tpu.memory_space<hbm>> -> memref<32xf32, #tpu.memory_space<hbm>>
      %dma_wait3A_248 = arith.constant 99968 : i32
      %dma_wait3A_249 = tpu.memref_slice %arg3[%scan3A_152, %add3A, %dma_wait3A_248] : memref<26x32x100000xf32, #tpu.memory_space<hbm>> -> memref<1x1x32xf32, #tpu.memory_space<hbm>>
      %dma_wait3A_250 = tpu.memref_squeeze %dma_wait3A_249 : memref<1x1x32xf32, #tpu.memory_space<hbm>> -> memref<32xf32, #tpu.memory_space<hbm>>
      tpu.wait_dma2 semaphore(%arg10 : memref<!tpu.dma_semaphore, #tpu.memory_space<semaphore_mem>>) src(%dma_wait3A_250 : memref<32xf32, #tpu.memory_space<hbm>>) dst(%arg6 : memref<32xf32, #tpu.memory_space<vmem>>)
      %get3A_251 = arith.constant 0 : index
      %get3A_252 = tpu.vector_load %arg6[%get3A_251] {strides = array<i32>} : memref<32xf32, #tpu.memory_space<vmem>>, vector<16xf32>,
      %swap3A_253 = arith.constant 99968 : index
      %swap3A_254 = tpu.vector_load %arg5[%swap3A_253] {strides = array<i32>} : memref<100000xf32, #tpu.memory_space<vmem>>, vector<16xf32>,
      tpu.vector_store %arg5[%swap3A_253], %get3A_252 {strides = array<i32>} : memref<100000xf32, #tpu.memory_space<vmem>>, vector<16xf32>,
      %get3A_255 = arith.constant 16 : index
      %get3A_256 = tpu.vector_load %arg6[%get3A_255] {strides = array<i32>} : memref<32xf32, #tpu.memory_space<vmem>>, vector<16xf32>,
      %swap3A_257 = arith.constant 99984 : index
      %swap3A_258 = tpu.vector_load %arg5[%swap3A_257] {strides = array<i32>} : memref<100000xf32, #tpu.memory_space<vmem>>, vector<16xf32>,
      tpu.vector_store %arg5[%swap3A_257], %get3A_256 {strides = array<i32>} : memref<100000xf32, #tpu.memory_space<vmem>>, vector<16xf32>,
      %dma_wait3A_259 = arith.constant 0 : i32
      %dma_wait3A_260 = tpu.memref_slice %arg2[%scan3A_152, %dma_wait3A_259] : memref<26x16384xi32, #tpu.memory_space<hbm>> -> memref<1x8192xi32, #tpu.memory_space<hbm>>
      %dma_wait3A_261 = tpu.memref_squeeze %dma_wait3A_260 : memref<1x8192xi32, #tpu.memory_space<hbm>> -> memref<8192xi32, #tpu.memory_space<hbm>>
      %dma_wait3A_262 = arith.constant 0 : i32
      %dma_wait3A_263 = tpu.memref_slice %arg2[%scan3A_152, %dma_wait3A_262] : memref<26x16384xi32, #tpu.memory_space<hbm>> -> memref<1x8192xi32, #tpu.memory_space<hbm>>
      %dma_wait3A_264 = tpu.memref_squeeze %dma_wait3A_263 : memref<1x8192xi32, #tpu.memory_space<hbm>> -> memref<8192xi32, #tpu.memory_space<hbm>>
      tpu.wait_dma2 semaphore(%arg11 : memref<!tpu.dma_semaphore, #tpu.memory_space<semaphore_mem>>) src(%dma_wait3A_264 : memref<8192xi32, #tpu.memory_space<hbm>>) dst(%arg7 : memref<8192xi32, #tpu.memory_space<vmem>>)
      %scan3A_265 = arith.constant 0 : i32
      %scan3A_266 = arith.constant 0 : i32
      %scan3A_267 = arith.constant 512 : i32
      %scan3A_268 = arith.addi %scan3A_266, %scan3A_267 : i32
      %scan3A_269 = arith.constant 8 : i32
      scf.for %scan3A_289 = %scan3A_266 to %scan3A_268 step %scan3A_269  : i32 {
        %mul3A_290 = arith.constant 16 : i32
        %mul3A_291 = arith.muli %scan3A_289, %mul3A_290 : i32
        %get3A_292 = arith.index_cast %mul3A_291 : i32 to index
        %get3A_293 = tpu.vector_load %arg7[%get3A_292] {strides = array<i32>} : memref<8192xi32, #tpu.memory_space<vmem>>, vector<16xi32>,
        %gather3A = tpu.vector_load_idx %arg5[%get3A_293] : memref<100000xf32, #tpu.memory_space<vmem>>[vector<16xi32>], vector<16xf32>,
        %mul3A_294 = arith.constant 16 : i32
        %mul3A_295 = arith.muli %scan3A_289, %mul3A_294 : i32
        %add3A_296 = arith.constant 0 : i32
        %add3A_297 = arith.addi %add3A_296, %mul3A_295 : i32
        %swap3A_298 = arith.index_cast %add3A_297 : i32 to index
        %swap3A_299 = tpu.vector_load %arg8[%swap3A_298] {strides = array<i32>} : memref<16384xf32, #tpu.memory_space<vmem>>, vector<16xf32>,
        tpu.vector_store %arg8[%swap3A_298], %gather3A {add = true, strides = array<i32>} : memref<16384xf32, #tpu.memory_space<vmem>>, vector<16xf32>,
        %scan3A_300 = arith.constant 1 : i32
        %scan3A_301 = arith.addi %scan3A_289, %scan3A_300 : i32
        %mul3A_302 = arith.constant 16 : i32
        %mul3A_303 = arith.muli %scan3A_301, %mul3A_302 : i32
        %get3A_304 = arith.index_cast %mul3A_303 : i32 to index
        %get3A_305 = tpu.vector_load %arg7[%get3A_304] {strides = array<i32>} : memref<8192xi32, #tpu.memory_space<vmem>>, vector<16xi32>,
        %gather3A_306 = tpu.vector_load_idx %arg5[%get3A_305] : memref<100000xf32, #tpu.memory_space<vmem>>[vector<16xi32>], vector<16xf32>,
        %mul3A_307 = arith.constant 16 : i32
        %mul3A_308 = arith.muli %scan3A_301, %mul3A_307 : i32
        %add3A_309 = arith.constant 0 : i32
        %add3A_310 = arith.addi %add3A_309, %mul3A_308 : i32
        %swap3A_311 = arith.index_cast %add3A_310 : i32 to index
        %swap3A_312 = tpu.vector_load %arg8[%swap3A_311] {strides = array<i32>} : memref<16384xf32, #tpu.memory_space<vmem>>, vector<16xf32>,
        tpu.vector_store %arg8[%swap3A_311], %gather3A_306 {add = true, strides = array<i32>} : memref<16384xf32, #tpu.memory_space<vmem>>, vector<16xf32>,
        %scan3A_313 = arith.constant 2 : i32
        %scan3A_314 = arith.addi %scan3A_289, %scan3A_313 : i32
        %mul3A_315 = arith.constant 16 : i32
        %mul3A_316 = arith.muli %scan3A_314, %mul3A_315 : i32
        %get3A_317 = arith.index_cast %mul3A_316 : i32 to index
        %get3A_318 = tpu.vector_load %arg7[%get3A_317] {strides = array<i32>} : memref<8192xi32, #tpu.memory_space<vmem>>, vector<16xi32>,
        %gather3A_319 = tpu.vector_load_idx %arg5[%get3A_318] : memref<100000xf32, #tpu.memory_space<vmem>>[vector<16xi32>], vector<16xf32>,
        %mul3A_320 = arith.constant 16 : i32
        %mul3A_321 = arith.muli %scan3A_314, %mul3A_320 : i32
        %add3A_322 = arith.constant 0 : i32
        %add3A_323 = arith.addi %add3A_322, %mul3A_321 : i32
        %swap3A_324 = arith.index_cast %add3A_323 : i32 to index
        %swap3A_325 = tpu.vector_load %arg8[%swap3A_324] {strides = array<i32>} : memref<16384xf32, #tpu.memory_space<vmem>>, vector<16xf32>,
        tpu.vector_store %arg8[%swap3A_324], %gather3A_319 {add = true, strides = array<i32>} : memref<16384xf32, #tpu.memory_space<vmem>>, vector<16xf32>,
        %scan3A_326 = arith.constant 3 : i32
        %scan3A_327 = arith.addi %scan3A_289, %scan3A_326 : i32
        %mul3A_328 = arith.constant 16 : i32
        %mul3A_329 = arith.muli %scan3A_327, %mul3A_328 : i32
        %get3A_330 = arith.index_cast %mul3A_329 : i32 to index
        %get3A_331 = tpu.vector_load %arg7[%get3A_330] {strides = array<i32>} : memref<8192xi32, #tpu.memory_space<vmem>>, vector<16xi32>,
        %gather3A_332 = tpu.vector_load_idx %arg5[%get3A_331] : memref<100000xf32, #tpu.memory_space<vmem>>[vector<16xi32>], vector<16xf32>,
        %mul3A_333 = arith.constant 16 : i32
        %mul3A_334 = arith.muli %scan3A_327, %mul3A_333 : i32
        %add3A_335 = arith.constant 0 : i32
        %add3A_336 = arith.addi %add3A_335, %mul3A_334 : i32
        %swap3A_337 = arith.index_cast %add3A_336 : i32 to index
        %swap3A_338 = tpu.vector_load %arg8[%swap3A_337] {strides = array<i32>} : memref<16384xf32, #tpu.memory_space<vmem>>, vector<16xf32>,
        tpu.vector_store %arg8[%swap3A_337], %gather3A_332 {add = true, strides = array<i32>} : memref<16384xf32, #tpu.memory_space<vmem>>, vector<16xf32>,
        %scan3A_339 = arith.constant 4 : i32
        %scan3A_340 = arith.addi %scan3A_289, %scan3A_339 : i32
        %mul3A_341 = arith.constant 16 : i32
        %mul3A_342 = arith.muli %scan3A_340, %mul3A_341 : i32
        %get3A_343 = arith.index_cast %mul3A_342 : i32 to index
        %get3A_344 = tpu.vector_load %arg7[%get3A_343] {strides = array<i32>} : memref<8192xi32, #tpu.memory_space<vmem>>, vector<16xi32>,
        %gather3A_345 = tpu.vector_load_idx %arg5[%get3A_344] : memref<100000xf32, #tpu.memory_space<vmem>>[vector<16xi32>], vector<16xf32>,
        %mul3A_346 = arith.constant 16 : i32
        %mul3A_347 = arith.muli %scan3A_340, %mul3A_346 : i32
        %add3A_348 = arith.constant 0 : i32
        %add3A_349 = arith.addi %add3A_348, %mul3A_347 : i32
        %swap3A_350 = arith.index_cast %add3A_349 : i32 to index
        %swap3A_351 = tpu.vector_load %arg8[%swap3A_350] {strides = array<i32>} : memref<16384xf32, #tpu.memory_space<vmem>>, vector<16xf32>,
        tpu.vector_store %arg8[%swap3A_350], %gather3A_345 {add = true, strides = array<i32>} : memref<16384xf32, #tpu.memory_space<vmem>>, vector<16xf32>,
        %scan3A_352 = arith.constant 5 : i32
        %scan3A_353 = arith.addi %scan3A_289, %scan3A_352 : i32
        %mul3A_354 = arith.constant 16 : i32
        %mul3A_355 = arith.muli %scan3A_353, %mul3A_354 : i32
        %get3A_356 = arith.index_cast %mul3A_355 : i32 to index
        %get3A_357 = tpu.vector_load %arg7[%get3A_356] {strides = array<i32>} : memref<8192xi32, #tpu.memory_space<vmem>>, vector<16xi32>,
        %gather3A_358 = tpu.vector_load_idx %arg5[%get3A_357] : memref<100000xf32, #tpu.memory_space<vmem>>[vector<16xi32>], vector<16xf32>,
        %mul3A_359 = arith.constant 16 : i32
        %mul3A_360 = arith.muli %scan3A_353, %mul3A_359 : i32
        %add3A_361 = arith.constant 0 : i32
        %add3A_362 = arith.addi %add3A_361, %mul3A_360 : i32
        %swap3A_363 = arith.index_cast %add3A_362 : i32 to index
        %swap3A_364 = tpu.vector_load %arg8[%swap3A_363] {strides = array<i32>} : memref<16384xf32, #tpu.memory_space<vmem>>, vector<16xf32>,
        tpu.vector_store %arg8[%swap3A_363], %gather3A_358 {add = true, strides = array<i32>} : memref<16384xf32, #tpu.memory_space<vmem>>, vector<16xf32>,
        %scan3A_365 = arith.constant 6 : i32
        %scan3A_366 = arith.addi %scan3A_289, %scan3A_365 : i32
        %mul3A_367 = arith.constant 16 : i32
        %mul3A_368 = arith.muli %scan3A_366, %mul3A_367 : i32
        %get3A_369 = arith.index_cast %mul3A_368 : i32 to index
        %get3A_370 = tpu.vector_load %arg7[%get3A_369] {strides = array<i32>} : memref<8192xi32, #tpu.memory_space<vmem>>, vector<16xi32>,
        %gather3A_371 = tpu.vector_load_idx %arg5[%get3A_370] : memref<100000xf32, #tpu.memory_space<vmem>>[vector<16xi32>], vector<16xf32>,
        %mul3A_372 = arith.constant 16 : i32
        %mul3A_373 = arith.muli %scan3A_366, %mul3A_372 : i32
        %add3A_374 = arith.constant 0 : i32
        %add3A_375 = arith.addi %add3A_374, %mul3A_373 : i32
        %swap3A_376 = arith.index_cast %add3A_375 : i32 to index
        %swap3A_377 = tpu.vector_load %arg8[%swap3A_376] {strides = array<i32>} : memref<16384xf32, #tpu.memory_space<vmem>>, vector<16xf32>,
        tpu.vector_store %arg8[%swap3A_376], %gather3A_371 {add = true, strides = array<i32>} : memref<16384xf32, #tpu.memory_space<vmem>>, vector<16xf32>,
        %scan3A_378 = arith.constant 7 : i32
        %scan3A_379 = arith.addi %scan3A_289, %scan3A_378 : i32
        %mul3A_380 = arith.constant 16 : i32
        %mul3A_381 = arith.muli %scan3A_379, %mul3A_380 : i32
        %get3A_382 = arith.index_cast %mul3A_381 : i32 to index
        %get3A_383 = tpu.vector_load %arg7[%get3A_382] {strides = array<i32>} : memref<8192xi32, #tpu.memory_space<vmem>>, vector<16xi32>,
        %gather3A_384 = tpu.vector_load_idx %arg5[%get3A_383] : memref<100000xf32, #tpu.memory_space<vmem>>[vector<16xi32>], vector<16xf32>,
        %mul3A_385 = arith.constant 16 : i32
        %mul3A_386 = arith.muli %scan3A_379, %mul3A_385 : i32
        %add3A_387 = arith.constant 0 : i32
        %add3A_388 = arith.addi %add3A_387, %mul3A_386 : i32
        %swap3A_389 = arith.index_cast %add3A_388 : i32 to index
        %swap3A_390 = tpu.vector_load %arg8[%swap3A_389] {strides = array<i32>} : memref<16384xf32, #tpu.memory_space<vmem>>, vector<16xf32>,
        tpu.vector_store %arg8[%swap3A_389], %gather3A_384 {add = true, strides = array<i32>} : memref<16384xf32, #tpu.memory_space<vmem>>, vector<16xf32>,
      }
      %scan3A_270 = arith.constant 512 : i32
      %dma_start3A_271 = arith.constant 8192 : i32
      %dma_start3A_272 = tpu.memref_slice %arg2[%scan3A_152, %dma_start3A_271] : memref<26x16384xi32, #tpu.memory_space<hbm>> -> memref<1x8192xi32, #tpu.memory_space<hbm>>
      %dma_start3A_273 = tpu.memref_squeeze %dma_start3A_272 : memref<1x8192xi32, #tpu.memory_space<hbm>> -> memref<8192xi32, #tpu.memory_space<hbm>>
      %dma_start3A_274 = arith.constant 8192 : i32
      %dma_start3A_275 = tpu.memref_slice %arg2[%scan3A_152, %dma_start3A_274] : memref<26x16384xi32, #tpu.memory_space<hbm>> -> memref<1x8192xi32, #tpu.memory_space<hbm>>
      %dma_start3A_276 = tpu.memref_squeeze %dma_start3A_275 : memref<1x8192xi32, #tpu.memory_space<hbm>> -> memref<8192xi32, #tpu.memory_space<hbm>>
      tpu.enqueue_dma source(%dma_start3A_276 : memref<8192xi32, #tpu.memory_space<hbm>>) target(%arg7 : memref<8192xi32, #tpu.memory_space<vmem>>) target_semaphore(%arg11 : memref<!tpu.dma_semaphore, #tpu.memory_space<semaphore_mem>>)
      %dma_wait3A_277 = arith.constant 8192 : i32
      %dma_wait3A_278 = tpu.memref_slice %arg2[%scan3A_152, %dma_wait3A_277] : memref<26x16384xi32, #tpu.memory_space<hbm>> -> memref<1x8192xi32, #tpu.memory_space<hbm>>
      %dma_wait3A_279 = tpu.memref_squeeze %dma_wait3A_278 : memref<1x8192xi32, #tpu.memory_space<hbm>> -> memref<8192xi32, #tpu.memory_space<hbm>>
      %dma_wait3A_280 = arith.constant 8192 : i32
      %dma_wait3A_281 = tpu.memref_slice %arg2[%scan3A_152, %dma_wait3A_280] : memref<26x16384xi32, #tpu.memory_space<hbm>> -> memref<1x8192xi32, #tpu.memory_space<hbm>>
      %dma_wait3A_282 = tpu.memref_squeeze %dma_wait3A_281 : memref<1x8192xi32, #tpu.memory_space<hbm>> -> memref<8192xi32, #tpu.memory_space<hbm>>
      tpu.wait_dma2 semaphore(%arg11 : memref<!tpu.dma_semaphore, #tpu.memory_space<semaphore_mem>>) src(%dma_wait3A_282 : memref<8192xi32, #tpu.memory_space<hbm>>) dst(%arg7 : memref<8192xi32, #tpu.memory_space<vmem>>)
      %scan3A_283 = arith.constant 0 : i32
      %scan3A_284 = arith.constant 0 : i32
      %scan3A_285 = arith.constant 512 : i32
      %scan3A_286 = arith.addi %scan3A_284, %scan3A_285 : i32
      %scan3A_287 = arith.constant 8 : i32
      scf.for %scan3A_289 = %scan3A_284 to %scan3A_286 step %scan3A_287  : i32 {
        %mul3A_290 = arith.constant 16 : i32
        %mul3A_291 = arith.muli %scan3A_289, %mul3A_290 : i32
        %get3A_292 = arith.index_cast %mul3A_291 : i32 to index
        %get3A_293 = tpu.vector_load %arg7[%get3A_292] {strides = array<i32>} : memref<8192xi32, #tpu.memory_space<vmem>>, vector<16xi32>,
        %gather3A = tpu.vector_load_idx %arg5[%get3A_293] : memref<100000xf32, #tpu.memory_space<vmem>>[vector<16xi32>], vector<16xf32>,
        %mul3A_294 = arith.constant 16 : i32
        %mul3A_295 = arith.muli %scan3A_289, %mul3A_294 : i32
        %add3A_296 = arith.constant 8192 : i32
        %add3A_297 = arith.addi %add3A_296, %mul3A_295 : i32
        %swap3A_298 = arith.index_cast %add3A_297 : i32 to index
        %swap3A_299 = tpu.vector_load %arg8[%swap3A_298] {strides = array<i32>} : memref<16384xf32, #tpu.memory_space<vmem>>, vector<16xf32>,
        tpu.vector_store %arg8[%swap3A_298], %gather3A {add = true, strides = array<i32>} : memref<16384xf32, #tpu.memory_space<vmem>>, vector<16xf32>,
        %scan3A_300 = arith.constant 1 : i32
        %scan3A_301 = arith.addi %scan3A_289, %scan3A_300 : i32
        %mul3A_302 = arith.constant 16 : i32
        %mul3A_303 = arith.muli %scan3A_301, %mul3A_302 : i32
        %get3A_304 = arith.index_cast %mul3A_303 : i32 to index
        %get3A_305 = tpu.vector_load %arg7[%get3A_304] {strides = array<i32>} : memref<8192xi32, #tpu.memory_space<vmem>>, vector<16xi32>,
        %gather3A_306 = tpu.vector_load_idx %arg5[%get3A_305] : memref<100000xf32, #tpu.memory_space<vmem>>[vector<16xi32>], vector<16xf32>,
        %mul3A_307 = arith.constant 16 : i32
        %mul3A_308 = arith.muli %scan3A_301, %mul3A_307 : i32
        %add3A_309 = arith.constant 8192 : i32
        %add3A_310 = arith.addi %add3A_309, %mul3A_308 : i32
        %swap3A_311 = arith.index_cast %add3A_310 : i32 to index
        %swap3A_312 = tpu.vector_load %arg8[%swap3A_311] {strides = array<i32>} : memref<16384xf32, #tpu.memory_space<vmem>>, vector<16xf32>,
        tpu.vector_store %arg8[%swap3A_311], %gather3A_306 {add = true, strides = array<i32>} : memref<16384xf32, #tpu.memory_space<vmem>>, vector<16xf32>,
        %scan3A_313 = arith.constant 2 : i32
        %scan3A_314 = arith.addi %scan3A_289, %scan3A_313 : i32
        %mul3A_315 = arith.constant 16 : i32
        %mul3A_316 = arith.muli %scan3A_314, %mul3A_315 : i32
        %get3A_317 = arith.index_cast %mul3A_316 : i32 to index
        %get3A_318 = tpu.vector_load %arg7[%get3A_317] {strides = array<i32>} : memref<8192xi32, #tpu.memory_space<vmem>>, vector<16xi32>,
        %gather3A_319 = tpu.vector_load_idx %arg5[%get3A_318] : memref<100000xf32, #tpu.memory_space<vmem>>[vector<16xi32>], vector<16xf32>,
        %mul3A_320 = arith.constant 16 : i32
        %mul3A_321 = arith.muli %scan3A_314, %mul3A_320 : i32
        %add3A_322 = arith.constant 8192 : i32
        %add3A_323 = arith.addi %add3A_322, %mul3A_321 : i32
        %swap3A_324 = arith.index_cast %add3A_323 : i32 to index
        %swap3A_325 = tpu.vector_load %arg8[%swap3A_324] {strides = array<i32>} : memref<16384xf32, #tpu.memory_space<vmem>>, vector<16xf32>,
        tpu.vector_store %arg8[%swap3A_324], %gather3A_319 {add = true, strides = array<i32>} : memref<16384xf32, #tpu.memory_space<vmem>>, vector<16xf32>,
        %scan3A_326 = arith.constant 3 : i32
        %scan3A_327 = arith.addi %scan3A_289, %scan3A_326 : i32
        %mul3A_328 = arith.constant 16 : i32
        %mul3A_329 = arith.muli %scan3A_327, %mul3A_328 : i32
        %get3A_330 = arith.index_cast %mul3A_329 : i32 to index
        %get3A_331 = tpu.vector_load %arg7[%get3A_330] {strides = array<i32>} : memref<8192xi32, #tpu.memory_space<vmem>>, vector<16xi32>,
        %gather3A_332 = tpu.vector_load_idx %arg5[%get3A_331] : memref<100000xf32, #tpu.memory_space<vmem>>[vector<16xi32>], vector<16xf32>,
        %mul3A_333 = arith.constant 16 : i32
        %mul3A_334 = arith.muli %scan3A_327, %mul3A_333 : i32
        %add3A_335 = arith.constant 8192 : i32
        %add3A_336 = arith.addi %add3A_335, %mul3A_334 : i32
        %swap3A_337 = arith.index_cast %add3A_336 : i32 to index
        %swap3A_338 = tpu.vector_load %arg8[%swap3A_337] {strides = array<i32>} : memref<16384xf32, #tpu.memory_space<vmem>>, vector<16xf32>,
        tpu.vector_store %arg8[%swap3A_337], %gather3A_332 {add = true, strides = array<i32>} : memref<16384xf32, #tpu.memory_space<vmem>>, vector<16xf32>,
        %scan3A_339 = arith.constant 4 : i32
        %scan3A_340 = arith.addi %scan3A_289, %scan3A_339 : i32
        %mul3A_341 = arith.constant 16 : i32
        %mul3A_342 = arith.muli %scan3A_340, %mul3A_341 : i32
        %get3A_343 = arith.index_cast %mul3A_342 : i32 to index
        %get3A_344 = tpu.vector_load %arg7[%get3A_343] {strides = array<i32>} : memref<8192xi32, #tpu.memory_space<vmem>>, vector<16xi32>,
        %gather3A_345 = tpu.vector_load_idx %arg5[%get3A_344] : memref<100000xf32, #tpu.memory_space<vmem>>[vector<16xi32>], vector<16xf32>,
        %mul3A_346 = arith.constant 16 : i32
        %mul3A_347 = arith.muli %scan3A_340, %mul3A_346 : i32
        %add3A_348 = arith.constant 8192 : i32
        %add3A_349 = arith.addi %add3A_348, %mul3A_347 : i32
        %swap3A_350 = arith.index_cast %add3A_349 : i32 to index
        %swap3A_351 = tpu.vector_load %arg8[%swap3A_350] {strides = array<i32>} : memref<16384xf32, #tpu.memory_space<vmem>>, vector<16xf32>,
        tpu.vector_store %arg8[%swap3A_350], %gather3A_345 {add = true, strides = array<i32>} : memref<16384xf32, #tpu.memory_space<vmem>>, vector<16xf32>,
        %scan3A_352 = arith.constant 5 : i32
        %scan3A_353 = arith.addi %scan3A_289, %scan3A_352 : i32
        %mul3A_354 = arith.constant 16 : i32
        %mul3A_355 = arith.muli %scan3A_353, %mul3A_354 : i32
        %get3A_356 = arith.index_cast %mul3A_355 : i32 to index
        %get3A_357 = tpu.vector_load %arg7[%get3A_356] {strides = array<i32>} : memref<8192xi32, #tpu.memory_space<vmem>>, vector<16xi32>,
        %gather3A_358 = tpu.vector_load_idx %arg5[%get3A_357] : memref<100000xf32, #tpu.memory_space<vmem>>[vector<16xi32>], vector<16xf32>,
        %mul3A_359 = arith.constant 16 : i32
        %mul3A_360 = arith.muli %scan3A_353, %mul3A_359 : i32
        %add3A_361 = arith.constant 8192 : i32
        %add3A_362 = arith.addi %add3A_361, %mul3A_360 : i32
        %swap3A_363 = arith.index_cast %add3A_362 : i32 to index
        %swap3A_364 = tpu.vector_load %arg8[%swap3A_363] {strides = array<i32>} : memref<16384xf32, #tpu.memory_space<vmem>>, vector<16xf32>,
        tpu.vector_store %arg8[%swap3A_363], %gather3A_358 {add = true, strides = array<i32>} : memref<16384xf32, #tpu.memory_space<vmem>>, vector<16xf32>,
        %scan3A_365 = arith.constant 6 : i32
        %scan3A_366 = arith.addi %scan3A_289, %scan3A_365 : i32
        %mul3A_367 = arith.constant 16 : i32
        %mul3A_368 = arith.muli %scan3A_366, %mul3A_367 : i32
        %get3A_369 = arith.index_cast %mul3A_368 : i32 to index
        %get3A_370 = tpu.vector_load %arg7[%get3A_369] {strides = array<i32>} : memref<8192xi32, #tpu.memory_space<vmem>>, vector<16xi32>,
        %gather3A_371 = tpu.vector_load_idx %arg5[%get3A_370] : memref<100000xf32, #tpu.memory_space<vmem>>[vector<16xi32>], vector<16xf32>,
        %mul3A_372 = arith.constant 16 : i32
        %mul3A_373 = arith.muli %scan3A_366, %mul3A_372 : i32
        %add3A_374 = arith.constant 8192 : i32
        %add3A_375 = arith.addi %add3A_374, %mul3A_373 : i32
        %swap3A_376 = arith.index_cast %add3A_375 : i32 to index
        %swap3A_377 = tpu.vector_load %arg8[%swap3A_376] {strides = array<i32>} : memref<16384xf32, #tpu.memory_space<vmem>>, vector<16xf32>,
        tpu.vector_store %arg8[%swap3A_376], %gather3A_371 {add = true, strides = array<i32>} : memref<16384xf32, #tpu.memory_space<vmem>>, vector<16xf32>,
        %scan3A_378 = arith.constant 7 : i32
        %scan3A_379 = arith.addi %scan3A_289, %scan3A_378 : i32
        %mul3A_380 = arith.constant 16 : i32
        %mul3A_381 = arith.muli %scan3A_379, %mul3A_380 : i32
        %get3A_382 = arith.index_cast %mul3A_381 : i32 to index
        %get3A_383 = tpu.vector_load %arg7[%get3A_382] {strides = array<i32>} : memref<8192xi32, #tpu.memory_space<vmem>>, vector<16xi32>,
        %gather3A_384 = tpu.vector_load_idx %arg5[%get3A_383] : memref<100000xf32, #tpu.memory_space<vmem>>[vector<16xi32>], vector<16xf32>,
        %mul3A_385 = arith.constant 16 : i32
        %mul3A_386 = arith.muli %scan3A_379, %mul3A_385 : i32
        %add3A_387 = arith.constant 8192 : i32
        %add3A_388 = arith.addi %add3A_387, %mul3A_386 : i32
        %swap3A_389 = arith.index_cast %add3A_388 : i32 to index
        %swap3A_390 = tpu.vector_load %arg8[%swap3A_389] {strides = array<i32>} : memref<16384xf32, #tpu.memory_space<vmem>>, vector<16xf32>,
        tpu.vector_store %arg8[%swap3A_389], %gather3A_384 {add = true, strides = array<i32>} : memref<16384xf32, #tpu.memory_space<vmem>>, vector<16xf32>,
      }
      %scan3A_288 = arith.constant 512 : i32
    }
    %scan3A_151 = arith.constant 25 : i32
    "tpu.region"() ({
      %run_scoped3A = tpu.sem_alloc : memref<!tpu.dma_semaphore, #tpu.memory_space<semaphore_mem>>
      %dma_start3A_152 = arith.constant 0 : i32
      %dma_start3A_153 = tpu.memref_slice %arg4[%add3A, %dma_start3A_152] : memref<32x16384xf32, #tpu.memory_space<hbm>> -> memref<1x16384xf32, #tpu.memory_space<hbm>>
      %dma_start3A_154 = tpu.memref_squeeze %dma_start3A_153 : memref<1x16384xf32, #tpu.memory_space<hbm>> -> memref<16384xf32, #tpu.memory_space<hbm>>
      %dma_start3A_155 = arith.constant 0 : i32
      %dma_start3A_156 = tpu.memref_slice %arg4[%add3A, %dma_start3A_155] : memref<32x16384xf32, #tpu.memory_space<hbm>> -> memref<1x16384xf32, #tpu.memory_space<hbm>>
      %dma_start3A_157 = tpu.memref_squeeze %dma_start3A_156 : memref<1x16384xf32, #tpu.memory_space<hbm>> -> memref<16384xf32, #tpu.memory_space<hbm>>
      tpu.enqueue_dma source(%arg8 : memref<16384xf32, #tpu.memory_space<vmem>>) target(%dma_start3A_157 : memref<16384xf32, #tpu.memory_space<hbm>>) target_semaphore(%run_scoped3A : memref<!tpu.dma_semaphore, #tpu.memory_space<semaphore_mem>>)
      %dma_wait3A_158 = arith.constant 0 : i32
      %dma_wait3A_159 = tpu.memref_slice %arg4[%add3A, %dma_wait3A_158] : memref<32x16384xf32, #tpu.memory_space<hbm>> -> memref<1x16384xf32, #tpu.memory_space<hbm>>
      %dma_wait3A_160 = tpu.memref_squeeze %dma_wait3A_159 : memref<1x16384xf32, #tpu.memory_space<hbm>> -> memref<16384xf32, #tpu.memory_space<hbm>>
      %dma_wait3A_161 = arith.constant 0 : i32
      %dma_wait3A_162 = tpu.memref_slice %arg4[%add3A, %dma_wait3A_161] : memref<32x16384xf32, #tpu.memory_space<hbm>> -> memref<1x16384xf32, #tpu.memory_space<hbm>>
      %dma_wait3A_163 = tpu.memref_squeeze %dma_wait3A_162 : memref<1x16384xf32, #tpu.memory_space<hbm>> -> memref<16384xf32, #tpu.memory_space<hbm>>
      tpu.wait_dma2 semaphore(%run_scoped3A : memref<!tpu.dma_semaphore, #tpu.memory_space<semaphore_mem>>) src(%arg8 : memref<16384xf32, #tpu.memory_space<vmem>>) dst(%dma_wait3A_163 : memref<16384xf32, #tpu.memory_space<hbm>>)
      tpu.yield
    }) : () -> ()
    return
  }
}

</mosaic_0001>

<sc_bundles>
// kernel: kernel.3.cloned.1.call-start
scs
__scs_entry_jumppad:
0x0: {  	(pc) =	sbr.rel $0x88, $3  }
0x1: {  	(tag) =	ssettag $0x0;
	lr =	simm.s32 $0x1  }
0x2: {  	[smem:$0x3F9F] =	sst lr;
	_ =	strace $0xD0000000  }
0x3: {  	_ = 	snop  }
0x4: {  	_ = 	snop  }
0x5: {  	_ = 	snop  }
0x6: {  	_ = 	snop  }
0x7: {  	_ = 	snop  }
__scs_overlays_trampoline_lowered:
0x8: {  	[smem:$0x3FAE] =	sst s0  }
0x9: {  	[smem:$0x3FAF] =	sst s1  }
0xa: {  	[smem:$0x3FB0] =	sst s2  }
0xb: {  	[smem:$0x3FB1] =	sst s3  }
0xc: {  	[smem:$0x3FB2] =	sst s4  }
0xd: {  	[smem:$0x3FB3] =	sst s5  }
0xe: {  	[smem:$0x3FB4] =	sst s6  }
0xf: {  	[smem:$0x3FB5] =	sst s7  }
0x10: {  	[smem:$0x3FB6] =	sst s8  }
0x11: {  	[smem:$0x3FB7] =	sst s9;
	s0 =	simm.s32 @!p0 $0x0  }
0x12: {  	s1 =	sld [smem:$0x3F9D];
	s0 =	simm.s32 @p0 $0x1  }
0x13: {  	[smem:$0x3FB8] =	sst s0;
	s0 =	simm.s32 @!p1 $0x0  }
0x14: {  	s2 =	sld [smem:$0x3F9C];
	s0 =	simm.s32 @p1 $0x1  }
0x15: {  	[smem:$0x3FB9] =	sst s0;
	s0 =	simm.s32 @!p2 $0x0  }
0x16: {  	s3 =	sld [smem:$0x3FDB];
	s0 =	simm.s32 @p2 $0x1  }
0x17: {  	s4 =	simm.s32 $0x1BF5;
	[smem:$0x3FBB] =	sst s0  }
0x18: {  	s0 =	sld [smem:$0x3F9E];
	_ =	swait.ge [sflag:s4], $0x0  }
0x19: {  	s7 =	sld [smem:$0x3F9F]  }
0x1a: {  	s8 =	sadd.s32 $0xFFFFE003, lr  }
0x1b: {  	s9 =	sadd.s32 $0xFFFFFEF7, lr;
	s5 =	simm.s32 $0xFFFFFFFF;
	p2 =	slt.u32 s8, $0xFFFFF086  }
0x1c: {  	p1 =	slt.u32 s9, $0xF7A;
	s5 =	simm.s32 @!p2 $0x0  }
0x1d: {  	s5 =	simm.s32 @p1 $0x1;
	p0 =	seq.s32 s7, s2  }
0x1e: {  	s7 =	smul.u32 @!p0 $0xF7A, s2;
	p2 =	seq.s32 @!p0 s5, $0x0  }
0x1f: {  	s9 =	smul.u32 $0xF7A, s1;
	s8 =	simm.s32 @!p0 $0x1BF5;
	p2 =	por !p2, p0  }
0x20: {  	[sflag:s8] =	ssyncset.s32 @!p0 $0xFFFFF086;
	s6 =	sadd.s32 @!p0 s3, s7;
	s7 =	simm.s32 @!p0 $0x108  }
0x21: {  	s3 =	sadd.s32 s3, s9;
	s6 =	sadd.s32 @!p0 $0x88, s6;
	s7 =	simm.s32 @p2 $0x1082  }
0x22: {  	[simem:s7], [sflag:s8] =	dma.local @!p0 [hbm:s6], $0xF7A  }
0x23: {  	s9 =	sor.u32 $0xD0000000, s2;
	s6 =	simm.s32 $0x108;
	_ =	swait.ge @!p0 [sflag:s8], $0x0  }
0x24: {  	s3 =	sadd.s32 $0x88, s3;
	s6 =	simm.s32 @!p1 $0x1082;
	[sflag:s4] =	ssyncset.s32 $0xFFFFF086  }
0x25: {  	[simem:s6], [sflag:s4] =	dma.local [hbm:s3], $0xF7A  }
0x26: {  	[smem:$0x3F9F] =	sst s1;
	(tag) =	ssettag s2;
	_ =	strace s9  }
0x27: {  	s1 =	sld [smem:$0x3FAF]  }
0x28: {  	s2 =	sld [smem:$0x3FB0]  }
0x29: {  	s4 =	sld [smem:$0x3FB2]  }
0x2a: {  	p0 =	seq.s32 s5, $0x0;
	s5 =	sld [smem:$0x3FB3]  }
0x2b: {  	s6 =	sld [smem:$0x3FB4]  }
0x2c: {  	s7 =	sld [smem:$0x3FB5]  }
0x2d: {  	s3 =	simm.s32 $0x108;
	s8 =	sld [smem:$0x3FB6]  }
0x2e: {  	s3 =	simm.s32 @!p0 $0x1082;
	s9 =	sld [smem:$0x3FB7]  }
0x2f: {  	lr =	sadd.s32 s0, s3;
	s0 =	sld [smem:$0x3FAE]  }
0x30: {  	s3 =	sld [smem:$0x3FB1]  }
0x31: {  	[smem:$0x3FBA] =	sst s10  }
0x32: {  	s10 =	sld [smem:$0x3FB8];
	_ =	sdelay $0x3  }
0x33: {  	p0 =	seq.s32 s10, $0x1;
	s10 =	sld [smem:$0x3FBA];
	_ =	sdelay $0x3  }
0x34: {  	[smem:$0x3FBA] =	sst s10  }
0x35: {  	s10 =	sld [smem:$0x3FB9];
	_ =	sdelay $0x3  }
0x36: {  	p1 =	seq.s32 s10, $0x1;
	s10 =	sld [smem:$0x3FBA];
	_ =	sdelay $0x3  }
0x37: {  	[smem:$0x3FBA] =	sst s10  }
0x38: {  	s10 =	sld [smem:$0x3FBB]  }
0x39: {  	_ = 	snop;
	(pc) =	sbr.ind lr, $3  }
0x3a: {  	_ = 	snop  }
0x3b: {  	_ = 	snop  }
0x3c: {  	p2 =	seq.s32 s10, $0x1;
	s10 =	sld [smem:$0x3FBA]  }
0x3d: {  	_ =	shalt  }
0x3e: {  	_ =	shalt  }
0x3f: {  	_ =	shalt  }
0x40: {  	_ =	shalt  }
0x41: {  	_ =	shalt  }
0x42: {  	_ =	shalt  }
0x43: {  	_ =	shalt  }
0x44: {  	_ =	shalt  }
0x45: {  	_ =	shalt  }
0x46: {  	_ =	shalt  }
0x47: {  	_ =	shalt  }
0x48: {  	_ =	shalt  }
0x49: {  	_ =	shalt  }
0x4a: {  	_ =	shalt  }
0x4b: {  	_ =	shalt  }
0x4c: {  	_ =	shalt  }
0x4d: {  	_ =	shalt  }
0x4e: {  	_ =	shalt  }
0x4f: {  	_ =	shalt  }
0x50: {  	_ =	shalt  }
0x51: {  	_ =	shalt  }
0x52: {  	_ =	shalt  }
0x53: {  	_ =	shalt  }
0x54: {  	_ =	shalt  }
0x55: {  	_ =	shalt  }
0x56: {  	_ =	shalt  }
0x57: {  	_ =	shalt  }
0x58: {  	_ =	shalt  }
0x59: {  	_ =	shalt  }
0x5a: {  	_ =	shalt  }
0x5b: {  	_ =	shalt  }
0x5c: {  	_ =	shalt  }
0x5d: {  	_ =	shalt  }
0x5e: {  	_ =	shalt  }
0x5f: {  	_ =	shalt  }
0x60: {  	_ =	shalt  }
0x61: {  	_ =	shalt  }
0x62: {  	_ =	shalt  }
0x63: {  	_ =	shalt  }
0x64: {  	_ =	shalt  }
0x65: {  	_ =	shalt  }
0x66: {  	_ =	shalt  }
0x67: {  	_ =	shalt  }
0x68: {  	_ =	shalt  }
0x69: {  	_ =	shalt  }
0x6a: {  	_ =	shalt  }
0x6b: {  	_ =	shalt  }
0x6c: {  	_ =	shalt  }
0x6d: {  	_ =	shalt  }
0x6e: {  	_ =	shalt  }
0x6f: {  	_ =	shalt  }
0x70: {  	_ =	shalt  }
0x71: {  	_ =	shalt  }
0x72: {  	_ =	shalt  }
0x73: {  	_ =	shalt  }
0x74: {  	_ =	shalt  }
0x75: {  	_ =	shalt  }
0x76: {  	_ =	shalt  }
0x77: {  	_ =	shalt  }
0x78: {  	_ =	shalt  }
0x79: {  	_ =	shalt  }
0x7a: {  	_ =	shalt  }
0x7b: {  	_ =	shalt  }
0x7c: {  	_ =	shalt  }
0x7d: {  	_ =	shalt  }
0x7e: {  	_ =	shalt  }
0x7f: {  	_ =	shalt  }
0x80: {  	_ =	shalt  }
0x81: {  	_ =	shalt  }
0x82: {  	_ =	shalt  }
0x83: {  	_ =	shalt  }
0x84: {  	_ =	shalt  }
0x85: {  	_ =	shalt  }
0x86: {  	_ =	shalt  }
0x87: {  	_ =	shalt  }
.Lfunc_end0:
.L_simem_size_0:
called_computation_lowered:
.L_overlay_start_0:
0x88: {  	s2 =	sld [smem:$0x3FD9]  }
0x89: {  	s3 =	sld [smem:$0x3FFE];
	_ =	sdelay $0x1  }
0x8a: {  	s1 =	srdreg.scid  }
0x8b: {  	s0 =	sand.u32 $0x1, s1  }
0x8c: {  	s18 =	sshll.u32 s0, $0xA;
	s2 =	sadd.s32 s3, s2  }
0x8d: {  	s2 =	sadd.s32 s2, s18  }
0x8e: {  	[smem:$0x3FC6] =	sst s2  }
0x8f: {  	_ = 	snop  }
0x90: {  	s2 =	sld [smem:$0x3FC9]  }
0x91: {  	s19 =	sld [smem:$0x3FC8]  }
0x92: {  	s4 =	sld [smem:$0x3FD0];
	(tm) =	ssettm $0x1  }
0x93: {  	s5 =	sld [smem:$0x3FFB];
	_ =	sdelay $0x3  }
0x94: {  	_ =	strace s5  }
0x95: {  	s5 =	sld [smem:$0x3FFC];
	_ =	sdelay $0x3  }
0x96: {  	_ =	strace s5  }
0x97: {  	s5 =	sld [smem:$0x3FFD];
	_ =	sdelay $0x3  }
0x98: {  	_ =	strace s5  }
0x99: {  	_ =	strace $0x8FFFFFFF  }
0x9a: {  	s20 =	sld [smem:$0x3FDB];
	_ =	sdelay $0x1  }
0x9b: {  	s6 =	simm.s32 $_scs_section_size  }
0x9c: {  	s7 =	simm.s32 $_size__tile_overlayer_lowered;
	s8 =	simm.s32 $_tile_overlayer_lowered  }
0x9d: {  	s23 =	simm.s32 $0x1BFF;
	s22 =	sshll.u32 s8, $0x1;
	s5 =	sadd.s32 s6, s20  }
0x9e: {  	s9 =	simm.s32 $0x0;
	s21 =	sshll.u32 s7, $0x1;
	s7 =	sadd.s32 s22, s5  }
0x9f: {  	[timem:s9], [sflag:s23] =	dma.local [hbm:s7], s21  }
0xa0: {  	_ =	swait.ge [sflag:s23], s21  }
0xa1: {  	s6 =	ssub.s32 $0x0, s21;
	[sflag:s23] =	ssyncset.done $0x0  }
0xa2: {  	[sflag:s23] =	ssyncadd.s32 s6;
	_ =	sdelay $0x1  }
0xa3: {  	s24 =	simm.s32 $0x1B8B  }
0xa4: {  	_ =	swait.ge [sflag:s24], $0x1  }
0xa5: {  	[sflag:s24] =	ssyncset.done $0x0  }
0xa6: {  	s25 =	simm.s32 $0x1B8E;
	[sflag:s24] =	ssyncadd.s32 $0xFFFFFFFF  }
0xa7: {  	s26 =	simm.s32 $execute0_lowered;
	[smem:$0x3FD2] =	sst s25  }
0xa8: {  	s6 =	sshll.u32 s26, $0x1;
	_ =	strace $0x80000046;
	[dreg:$0x1] =	wrdreg $0xFFFFFFFF  }
0xa9: {  	s28 =	simm.s32 $_size_execute0_lowered;
	s5 =	sadd.s32 s5, s6;
	[dreg:$0x0] =	wrdreg $0x0  }
0xaa: {  	s6 =	sshll.u32 s28, $0x1;
	[dreg:$0x2] =	wrdreg s5  }
0xab: {  	[dreg:$0x3] =	wrdreg s6  }
0xac: {  	[dreg:$0x4] =	wrdreg $0xC0  }
0xad: {  	_ =	task [dreg:s9], $0x5FFFF  }
0xae: {  	[dreg:$0x1] =	wrdreg $0xFFFFFFFF  }
0xaf: {  	[dreg:$0x0] =	wrdreg $0x60  }
0xb0: {  	[dreg:$0x2] =	wrdreg s2  }
0xb1: {  	[dreg:$0x3] =	wrdreg s19  }
0xb2: {  	[dreg:$0x4] =	wrdreg s4  }
0xb3: {  	[dreg:$0x5] =	wrdreg $0x9  }
0xb4: {  	_ =	task.clear_ibuf [dreg:s9], $0x6FFFF;
	_ =	strace $0x90000046  }
0xb5: {  	s29 =	simm.s32 $0x9;
	_ =	strace $0x80000048  }
0xb6: {  	_ =	swait.ge [sflag:s29], $0x1  }
0xb7: {  	[sflag:s29] =	ssyncadd.s32 $0xFFFFFFFF  }
0xb8: {  	_ =	strace $0x90000048  }
0xb9: {  	_ =	sfence  }
0xba: {  	s30 =	sld [smem:$0x0];
	_ =	sdelay $0x2  }
0xbb: {  	s31 =	sshll.u32 s1, $0xD;
	s1 =	sshrl.u32 s1, $0x2  }
0xbc: {  	s3 =	sand.u32 $0x4000, s31;
	s1 =	sadd.s32 s1, s30  }
0xbd: {  	s0 =	sor.u32 s3, s0;
	s1 =	sshll.u32 s1, $0x11  }
0xbe: {  	s0 =	sor.u32 s1, s0  }
0xbf: {  	s0 =	sadd.s32 $0x8F2B, s0  }
0xc0: {  	[sflag:s0] =	ssyncadd.remote.s32 $0x1  }
0xc1: {  	_ =	sfence.sel $0xFFFF  }
0xc2: {  	[dreg:$0x0] =	wrdreg $0xFFFFFFFF;
	(pc) =	sbr.abs _section_cstart, $3  }
0xc3: {  	[dreg:$0x1] =	wrdreg $0xFFFFFFFF  }
0xc4: {  	_ =	task.clear_ibuf [dreg:s9], $0x2FFFF;
	_ =	strace $0x9FFFFFFF  }
0xc5: {  	(tm) =	ssettm $0x7FFFFFFF  }
tec
execute0_lowered:
.L_overlay_start_1:
0x0: {  	(tag) =	ssettag $0x1  }
0x1: {  	s1 =	rddreg [dreg:$0x0]  }
0x2: {  	s2 =	rddreg [dreg:$0x1]  }
0x3: {  	s0 =	rddreg [dreg:$0x2];
	s4 =	simm.s32 $0x0;
	s3 =	srdreg.scid  }
0x4: {  	s5 =	stileid.u32;
	s19 =	simm.s32 $0x80;
	s20 =	simm.s32 $0x400  }
0x5: {  	s21 =	simm.s32 $0x6200;
	s22 =	simm.s32 $0xC400;
	s28 =	simm.s32 $0x2  }
0x6: {  	s29 =	simm.s32 $0x3;
	s31 =	simm.s32 $0x4;
	s3 =	sand.u32 $0x1, s3  }
0x7: {  	s7 =	sshrl.u32 s5, $0x2;
	s6 =	sshll.u32 s5, $0x8;
	[smem:$0x7FF] =	sst s4  }
0x8: {  	s12 =	sadd.s32 $0x2000, s1;
	s5 =	smul.u32 $0xC3800, s7;
	s8 =	sshll.u32 s3, $0x7  }
0x9: {  	s6 =	sand.u32 $0x300, s6;
	_ =	strace $0x80000047;
	s3 =	ssub.s32 $0x2, s3  }
0xa: {  	s7 =	sshll.u32 s7, $0x11;
	s6 =	sor.u32 s8, s6;
	s9 =	sshrl.u32 s3, $0x1  }
0xb: {  	s8 =	sor.u32 s5, s6;
	s3 =	ssub.s32 s3, s9;
	s13 =	sor.u32 $0x31000, s6  }
0xc: {  	s14 =	sor.u32 $0x62000, s6;
	s7 =	sor.u32 s7, s6;
	s15 =	sor.u32 $0x93000, s6  }
0xd: {  	s16 =	sor.u32 $0xC3400, s6;
	s10 =	sshrl.u32 s8, $0x3;
	s11 =	sadd.s32 $0x31000, s8  }
0xe: {  	s25 =	sadd.s32 $0x62000, s8;
	s26 =	sadd.s32 $0x93000, s8;
	s8 =	sadd.s32 $0xC3400, s8  }
0xf: {  	s7 =	sshrl.u32 s7, $0x3;
	s18 =	smax.u32 s3, $0x1;
	s23 =	sadd.s32 s2, s10  }
0x10: {  	s24 =	sshrl.u32 s11, $0x3;
	s10 =	sshrl.u32 s26, $0x3;
	s8 =	sshrl.u32 s8, $0x3  }
0x11: {  	s17 =	sadd.s32 s0, s7;
	s26 =	simm.s32 $0x1;
	s0 =	simm.s32 $0x0  }
0x12: {  	[dreg:$0x4] =	wrdreg s23;
	s9 =	sadd.s32 s2, s24;
	s30 =	sadd.s32 s2, s10  }
0x13: {  	s11 =	sadd.s32 s2, s8;
	[dreg:$0x5] =	wrdreg s9;
	s9 =	sshrl.u32 s25, $0x3  }
0x14: {  	s23 =	simm.s32 $0x12600;
	[dreg:$0x7] =	wrdreg s30;
	s9 =	sadd.s32 s2, s9  }
0x15: {  	s24 =	simm.s32 $0x18700;
	s25 =	simm.s32 $0x18780;
	[dreg:$0x6] =	wrdreg s9  }
.LBB2_1:
0x16: {  	s3 =	rddreg [dreg:$0x4]  }
0x17: {  	[tilespmem:s4], [sflag:$0x1] =	stream.strided.gather [hbm4b:s3+s19], $0x6200, s20, s19, $0x38;
	[tilespmem:$0x1E780] =	vst v63  }
0x18: {  	s9 =	rddreg [dreg:$0x5]  }
0x19: {  	[tilespmem:s21], [sflag:$0x1] =	stream.strided.gather [hbm4b:s9+s19], $0x6200, s20, s19, $0x38;
	[tilespmem:$0x1E780] =	vst v63  }
0x1a: {  	s10 =	rddreg [dreg:$0x6]  }
0x1b: {  	[tilespmem:s22], [sflag:$0x1] =	stream.strided.gather [hbm4b:s10+s19], $0x6200, s20, s19, $0x38;
	[tilespmem:$0x1E780] =	vst v63  }
0x1c: {  	s30 =	rddreg [dreg:$0x7]  }
0x1d: {  	[tilespmem:s23], [sflag:$0x1] =	stream.strided.gather [hbm4b:s30+s19], $0x6080, s20, s19, $0x38;
	[tilespmem:$0x1E780] =	vst v63  }
0x1e: {  	_ = 	snop  }
0x1f: {  	[tilespmem:s24], [sflag:$0x2] =	stream.linear.gather [hbm4b:s11+s4], $0x80, $0x38;
	[tilespmem:$0x1E780] =	vst v63  }
0x20: {  	_ = 	snop  }
0x21: {  	[tilespmem:s25], [sflag:$0x3] =	stream.strided.gather [hbm4b:s1+s19], $0x2000, s20, s19, $0x38;
	[tilespmem:$0x1E780] =	vst v63  }
0x22: {  	_ =	swait.ge [sflag:s26], $0x6200  }
0x23: {  	[sflag:s26] =	ssyncset.done $0x0  }
0x24: {  	[sflag:s26] =	ssyncadd.s32 $0xFFFF9E00  }
0x25: {  	_ =	swait.ge [sflag:s26], $0x6200  }
0x26: {  	[sflag:s26] =	ssyncset.done $0x0  }
0x27: {  	[sflag:s26] =	ssyncadd.s32 $0xFFFF9E00  }
0x28: {  	_ =	swait.ge [sflag:s26], $0x6200  }
0x29: {  	[sflag:s26] =	ssyncset.done $0x0  }
0x2a: {  	[sflag:s26] =	ssyncadd.s32 $0xFFFF9E00  }
0x2b: {  	_ =	swait.ge [sflag:s26], $0x6080  }
0x2c: {  	[sflag:s26] =	ssyncset.done $0x0  }
0x2d: {  	[sflag:s26] =	ssyncadd.s32 $0xFFFF9F80  }
0x2e: {  	_ =	swait.ge [sflag:s28], $0x80  }
0x2f: {  	[sflag:s28] =	ssyncset.done $0x0  }
0x30: {  	[sflag:s28] =	ssyncadd.s32 $0xFFFFFF80  }
0x31: {  	v0 =	vld [tilespmem:$0x18700]  }
0x32: {  	v1 =	vld [tilespmem:$0x18710];
	_ =	sdelay $0x3  }
0x33: {  	[tilespmem:$0x18680] =	vst v0  }
0x34: {  	[tilespmem:$0x18690] =	vst v1  }
0x35: {  	_ =	swait.ge [sflag:s29], $0x2000  }
0x36: {  	s7 =	simm.s32 $0x187C0;
	[sflag:s29] =	ssyncset.done $0x0  }
0x37: {  	s8 =	simm.s32 $0x1A7C0;
	s3 =	simm.s32 $0xFFFFFFF8;
	[sflag:s29] =	ssyncadd.s32 $0xFFFFE000  }
.LBB2_2:
0x38: {  	v0 =	vld [tilespmem:s7+$0xFFFFFFC0];
	_ =	sdelay $0x7  }
0x39: {  	v0 =	vld.idx.msk [tilespmem:v0+s4+$0x0], $0xffff;
	_ =	sdelay $0x4  }
0x3a: {  	[tilespmem:s8+$0xFFFFFFC0] =	vst v0  }
0x3b: {  	v0 =	vld [tilespmem:s7+$0xFFFFFFD0];
	_ =	sdelay $0x7  }
0x3c: {  	v0 =	vld.idx.msk [tilespmem:v0+s4+$0x0], $0xffff;
	_ =	sdelay $0x4  }
0x3d: {  	[tilespmem:s8+$0xFFFFFFD0] =	vst v0  }
0x3e: {  	v0 =	vld [tilespmem:s7+$0xFFFFFFE0];
	_ =	sdelay $0x7  }
0x3f: {  	v0 =	vld.idx.msk [tilespmem:v0+s4+$0x0], $0xffff;
	_ =	sdelay $0x4  }
0x40: {  	[tilespmem:s8+$0xFFFFFFE0] =	vst v0  }
0x41: {  	v0 =	vld [tilespmem:s7+$0xFFFFFFF0];
	_ =	sdelay $0x7  }
0x42: {  	v0 =	vld.idx.msk [tilespmem:v0+s4+$0x0], $0xffff;
	_ =	sdelay $0x4  }
0x43: {  	[tilespmem:s8+$0xFFFFFFF0] =	vst v0  }
0x44: {  	v0 =	vld [tilespmem:s7+$0x0];
	_ =	sdelay $0x7  }
0x45: {  	v0 =	vld.idx.msk [tilespmem:v0+s4+$0x0], $0xffff;
	_ =	sdelay $0x4  }
0x46: {  	[tilespmem:s8+$0x0] =	vst v0  }
0x47: {  	v0 =	vld [tilespmem:s7+$0x10];
	_ =	sdelay $0x7  }
0x48: {  	v0 =	vld.idx.msk [tilespmem:v0+s4+$0x0], $0xffff;
	_ =	sdelay $0x4  }
0x49: {  	[tilespmem:s8+$0x10] =	vst v0  }
0x4a: {  	v0 =	vld [tilespmem:s7+$0x20];
	_ =	sdelay $0x7  }
0x4b: {  	v0 =	vld.idx.msk [tilespmem:v0+s4+$0x0], $0xffff;
	_ =	sdelay $0x4  }
0x4c: {  	[tilespmem:s8+$0x20] =	vst v0  }
0x4d: {  	v0 =	vld [tilespmem:s7+$0x30];
	_ =	sdelay $0x6  }
0x4e: {  	s3 =	sadd.s32 $0x8, s3  }
0x4f: {  	p0 =	slt.u32 s3, $0x1F8;
	v0 =	vld.idx.msk [tilespmem:v0+s4+$0x0], $0xffff  }
.Ltmp0:
0x50: {  	_ = 	snop;
	(pc) =	sbr.rel @p0 .LBB2_2-.Ltmp0, $2  }
0x51: {  	_ =	sdelay $0x2  }
0x52: {  	s7 =	sadd.s32 $0x80, s7;
	[tilespmem:s8+$0x30] =	vst v0;
	s8 =	sadd.s32 $0x80, s8  }
0x53: {  	[tilespmem:s25], [sflag:$0x3] =	stream.strided.gather [hbm4b:s12+s19], $0x2000, s20, s19, $0x38;
	[tilespmem:$0x1E780] =	vst v63  }
0x54: {  	_ =	swait.ge [sflag:s29], $0x2000  }
0x55: {  	s7 =	simm.s32 $0xFFFFFFF8;
	[sflag:s29] =	ssyncset.done $0x0  }
0x56: {  	s8 =	simm.s32 $0x187C0;
	s9 =	simm.s32 $0x1C7F0;
	[sflag:s29] =	ssyncadd.s32 $0xFFFFE000  }
.LBB2_4:
0x57: {  	v0 =	vld [tilespmem:s8+$0xFFFFFFC0];
	_ =	sdelay $0x7  }
0x58: {  	v0 =	vld.idx.msk [tilespmem:v0+s4+$0x0], $0xffff;
	_ =	sdelay $0x4  }
0x59: {  	[tilespmem:s9+$0xFFFFFF90] =	vst v0  }
0x5a: {  	v0 =	vld [tilespmem:s8+$0xFFFFFFD0];
	_ =	sdelay $0x7  }
0x5b: {  	v0 =	vld.idx.msk [tilespmem:v0+s4+$0x0], $0xffff;
	_ =	sdelay $0x4  }
0x5c: {  	[tilespmem:s9+$0xFFFFFFA0] =	vst v0  }
0x5d: {  	v0 =	vld [tilespmem:s8+$0xFFFFFFE0];
	_ =	sdelay $0x7  }
0x5e: {  	v0 =	vld.idx.msk [tilespmem:v0+s4+$0x0], $0xffff;
	_ =	sdelay $0x4  }
0x5f: {  	[tilespmem:s9+$0xFFFFFFB0] =	vst v0  }
0x60: {  	v0 =	vld [tilespmem:s8+$0xFFFFFFF0];
	_ =	sdelay $0x7  }
0x61: {  	v0 =	vld.idx.msk [tilespmem:v0+s4+$0x0], $0xffff;
	_ =	sdelay $0x4  }
0x62: {  	[tilespmem:s9+$0xFFFFFFC0] =	vst v0  }
0x63: {  	v0 =	vld [tilespmem:s8+$0x0];
	_ =	sdelay $0x7  }
0x64: {  	v0 =	vld.idx.msk [tilespmem:v0+s4+$0x0], $0xffff;
	_ =	sdelay $0x4  }
0x65: {  	[tilespmem:s9+$0xFFFFFFD0] =	vst v0  }
0x66: {  	v0 =	vld [tilespmem:s8+$0x10];
	_ =	sdelay $0x7  }
0x67: {  	v0 =	vld.idx.msk [tilespmem:v0+s4+$0x0], $0xffff;
	_ =	sdelay $0x4  }
0x68: {  	[tilespmem:s9+$0xFFFFFFE0] =	vst v0  }
0x69: {  	v0 =	vld [tilespmem:s8+$0x20];
	_ =	sdelay $0x7  }
0x6a: {  	v0 =	vld.idx.msk [tilespmem:v0+s4+$0x0], $0xffff;
	_ =	sdelay $0x4  }
0x6b: {  	[tilespmem:s9+$0xFFFFFFF0] =	vst v0  }
0x6c: {  	v0 =	vld [tilespmem:s8+$0x30];
	_ =	sdelay $0x6  }
0x6d: {  	s7 =	sadd.s32 $0x8, s7  }
0x6e: {  	p0 =	slt.u32 s7, $0x1F8;
	v0 =	vld.idx.msk [tilespmem:v0+s4+$0x0], $0xffff  }
.Ltmp1:
0x6f: {  	_ = 	snop;
	(pc) =	sbr.rel @p0 .LBB2_4-.Ltmp1, $2  }
0x70: {  	_ =	sdelay $0x2  }
0x71: {  	s3 =	simm.s32 $0x1;
	s8 =	sadd.s32 $0x80, s8;
	[tilespmem:s9+$0x0] =	vst v0;
	s9 =	sadd.s32 $0x80, s9  }
.LBB2_5:
0x72: {  	s7 =	smul.u32 $0x30E000, s3;
	_ =	sdelay $0x1  }
0x73: {  	s7 =	sadd.s32 s5, s7  }
0x74: {  	s8 =	sor.u32 s6, s7  }
0x75: {  	s8 =	sshrl.u32 s8, $0x3  }
0x76: {  	s9 =	simm.s32 $0x0;
	s10 =	sadd.s32 s13, s7;
	s8 =	sadd.s32 s2, s8  }
0x77: {  	[tilespmem:s9], [sflag:$0x1] =	stream.strided.gather [hbm4b:s8+s19], $0x6200, s20, s19, $0x38;
	[tilespmem:$0x1E780] =	vst v63  }
0x78: {  	s8 =	sshrl.u32 s10, $0x3  }
0x79: {  	s10 =	sadd.s32 s14, s7;
	s8 =	sadd.s32 s2, s8  }
0x7a: {  	[tilespmem:s21], [sflag:$0x1] =	stream.strided.gather [hbm4b:s8+s19], $0x6200, s20, s19, $0x38;
	[tilespmem:$0x1E780] =	vst v63  }
0x7b: {  	s8 =	sshrl.u32 s10, $0x3  }
0x7c: {  	s10 =	sadd.s32 s15, s7;
	s8 =	sadd.s32 s2, s8  }
0x7d: {  	[tilespmem:s22], [sflag:$0x1] =	stream.strided.gather [hbm4b:s8+s19], $0x6200, s20, s19, $0x38;
	[tilespmem:$0x1E780] =	vst v63  }
0x7e: {  	s7 =	sadd.s32 s16, s7;
	s8 =	sshrl.u32 s10, $0x3  }
0x7f: {  	s7 =	sshrl.u32 s7, $0x3;
	s8 =	sadd.s32 s2, s8  }
0x80: {  	[tilespmem:s23], [sflag:$0x1] =	stream.strided.gather [hbm4b:s8+s19], $0x6080, s20, s19, $0x38;
	[tilespmem:$0x1E780] =	vst v63  }
0x81: {  	s7 =	sadd.s32 s2, s7  }
0x82: {  	[tilespmem:s24], [sflag:$0x2] =	stream.linear.gather [hbm4b:s7+s9], $0x80, $0x38;
	[tilespmem:$0x1E780] =	vst v63  }
0x83: {  	s10 =	sshll.u32 s3, $0x4;
	s9 =	sshll.u32 s3, $0xB  }
0x84: {  	s8 =	sand.u32 $0x70, s10;
	s7 =	sand.u32 $0xC000, s9  }
0x85: {  	s30 =	sor.u32 s8, s7  }
0x86: {  	s7 =	sadd.s32 s1, s30  }
0x87: {  	[tilespmem:s25], [sflag:$0x3] =	stream.strided.gather [hbm4b:s7+s19], $0x2000, s20, s19, $0x38;
	[tilespmem:$0x1E780] =	vst v63  }
0x88: {  	_ =	swait.ge [sflag:s26], $0x6200  }
0x89: {  	[sflag:s26] =	ssyncset.done $0x0  }
0x8a: {  	[sflag:s26] =	ssyncadd.s32 $0xFFFF9E00  }
0x8b: {  	_ =	swait.ge [sflag:s26], $0x6200  }
0x8c: {  	[sflag:s26] =	ssyncset.done $0x0  }
0x8d: {  	[sflag:s26] =	ssyncadd.s32 $0xFFFF9E00  }
0x8e: {  	_ =	swait.ge [sflag:s26], $0x6200  }
0x8f: {  	[sflag:s26] =	ssyncset.done $0x0  }
0x90: {  	[sflag:s26] =	ssyncadd.s32 $0xFFFF9E00  }
0x91: {  	_ =	swait.ge [sflag:s26], $0x6080  }
0x92: {  	[sflag:s26] =	ssyncset.done $0x0  }
0x93: {  	[sflag:s26] =	ssyncadd.s32 $0xFFFF9F80  }
0x94: {  	_ =	swait.ge [sflag:s28], $0x80  }
0x95: {  	[sflag:s28] =	ssyncset.done $0x0  }
0x96: {  	[sflag:s28] =	ssyncadd.s32 $0xFFFFFF80  }
0x97: {  	v0 =	vld [tilespmem:$0x18700]  }
0x98: {  	v1 =	vld [tilespmem:$0x18710];
	_ =	sdelay $0x3  }
0x99: {  	[tilespmem:$0x18680] =	vst v0  }
0x9a: {  	[tilespmem:$0x18690] =	vst v1  }
0x9b: {  	_ =	swait.ge [sflag:s29], $0x2000  }
0x9c: {  	[sflag:s29] =	ssyncset.done $0x0  }
0x9d: {  	s7 =	simm.s32 $0x0;
	[sflag:s29] =	ssyncadd.s32 $0xFFFFE000  }
0x9e: {  	v0 =	vld [tilespmem:s7+$0x18780];
	_ =	sdelay $0x5  }
0x9f: {  	v1 =	vld [tilespmem:s7+$0x18790];
	_ =	sdelay $0x1  }
0xa0: {  	v0 =	vld.idx.msk [tilespmem:v0+s4+$0x0], $0xffff;
	_ =	sdelay $0x3  }
0xa1: {  	v2 =	vld [tilespmem:s7+$0x187A0]  }
0xa2: {  	[tilespmem:s7+$0x1A780] =	vst.add.f32.msk $0xffff, v0  }
0xa3: {  	v0 =	vld.idx.msk [tilespmem:v1+s4+$0x0], $0xffff;
	_ =	sdelay $0x3  }
0xa4: {  	v1 =	vld [tilespmem:s7+$0x187B0]  }
0xa5: {  	[tilespmem:s7+$0x1A790] =	vst.add.f32.msk $0xffff, v0  }
0xa6: {  	v0 =	vld.idx.msk [tilespmem:v2+s4+$0x0], $0xffff;
	_ =	sdelay $0x3  }
0xa7: {  	v2 =	vld [tilespmem:s7+$0x187C0]  }
0xa8: {  	[tilespmem:s7+$0x1A7A0] =	vst.add.f32.msk $0xffff, v0  }
0xa9: {  	v0 =	vld.idx.msk [tilespmem:v1+s4+$0x0], $0xffff;
	_ =	sdelay $0x3  }
0xaa: {  	v1 =	vld [tilespmem:s7+$0x187D0]  }
0xab: {  	[tilespmem:s7+$0x1A7B0] =	vst.add.f32.msk $0xffff, v0  }
0xac: {  	v0 =	vld.idx.msk [tilespmem:v2+s4+$0x0], $0xffff;
	_ =	sdelay $0x3  }
0xad: {  	v2 =	vld [tilespmem:s7+$0x187E0]  }
0xae: {  	[tilespmem:s7+$0x1A7C0] =	vst.add.f32.msk $0xffff, v0  }
0xaf: {  	v1 =	vld.idx.msk [tilespmem:v1+s4+$0x0], $0xffff;
	_ =	sdelay $0x3  }
0xb0: {  	v0 =	vld [tilespmem:s7+$0x187F0]  }
0xb1: {  	[tilespmem:s7+$0x1A7D0] =	vst.add.f32.msk $0xffff, v1  }
0xb2: {  	v1 =	vld.idx.msk [tilespmem:v2+s4+$0x0], $0xffff;
	_ =	sdelay $0x1  }
0xb3: {  	s9 =	simm.s32 $0x200;
	s8 =	simm.s32 $0x0  }
.LBB2_6:
0xb4: {  	s10 =	sshra.s32 s9, $0x2  }
0xb5: {  	s8 =	sadd.s32 $0x8, s8;
	v2 =	vld [tilespmem:s10+$0x18780]  }
0xb6: {  	p0 =	slt.u32 s8, $0x1F8;
	[tilespmem:s7+$0x1A7E0] =	vst.add.f32.msk $0xffff, v1  }
0xb7: {  	v0 =	vld.idx.msk [tilespmem:v0+s4+$0x0], $0xffff;
	_ =	sdelay $0x4  }
0xb8: {  	v1 =	vld [tilespmem:s10+$0x18790]  }
0xb9: {  	[tilespmem:s7+$0x1A7F0] =	vst.add.f32.msk $0xffff, v0;
	s7 =	smov.u32 s10  }
0xba: {  	v0 =	vld.idx.msk [tilespmem:v2+s4+$0x0], $0xffff;
	_ =	sdelay $0x4  }
0xbb: {  	v2 =	vld [tilespmem:s7+$0x187A0]  }
0xbc: {  	[tilespmem:s7+$0x1A780] =	vst.add.f32.msk $0xffff, v0  }
0xbd: {  	v0 =	vld.idx.msk [tilespmem:v1+s4+$0x0], $0xffff;
	_ =	sdelay $0x4  }
0xbe: {  	v1 =	vld [tilespmem:s7+$0x187B0]  }
0xbf: {  	[tilespmem:s7+$0x1A790] =	vst.add.f32.msk $0xffff, v0  }
0xc0: {  	v0 =	vld.idx.msk [tilespmem:v2+s4+$0x0], $0xffff;
	_ =	sdelay $0x4  }
0xc1: {  	v2 =	vld [tilespmem:s7+$0x187C0]  }
0xc2: {  	[tilespmem:s7+$0x1A7A0] =	vst.add.f32.msk $0xffff, v0  }
0xc3: {  	v0 =	vld.idx.msk [tilespmem:v1+s4+$0x0], $0xffff;
	_ =	sdelay $0x4  }
0xc4: {  	v1 =	vld [tilespmem:s7+$0x187D0]  }
0xc5: {  	[tilespmem:s7+$0x1A7B0] =	vst.add.f32.msk $0xffff, v0  }
0xc6: {  	v0 =	vld.idx.msk [tilespmem:v2+s4+$0x0], $0xffff;
	_ =	sdelay $0x4  }
0xc7: {  	v2 =	vld [tilespmem:s7+$0x187E0]  }
0xc8: {  	[tilespmem:s7+$0x1A7C0] =	vst.add.f32.msk $0xffff, v0  }
0xc9: {  	v1 =	vld.idx.msk [tilespmem:v1+s4+$0x0], $0xffff;
	_ =	sdelay $0x4  }
0xca: {  	v0 =	vld [tilespmem:s7+$0x187F0]  }
.Ltmp2:
0xcb: {  	[tilespmem:s7+$0x1A7D0] =	vst.add.f32.msk $0xffff, v1;
	(pc) =	sbr.rel @p0 .LBB2_6-.Ltmp2, $2  }
0xcc: {  	v1 =	vld.idx.msk [tilespmem:v2+s4+$0x0], $0xffff;
	_ =	sdelay $0x2  }
0xcd: {  	s9 =	sadd.s32 $0x200, s9  }
0xce: {  	_ =	sdelay $0x2  }
0xcf: {  	[tilespmem:s7+$0x1A7E0] =	vst.add.f32.msk $0xffff, v1  }
0xd0: {  	v0 =	vld.idx.msk [tilespmem:v0+s4+$0x0], $0xffff;
	_ =	sdelay $0x4  }
0xd1: {  	s10 =	sadd.s32 s30, s12;
	[tilespmem:s7+$0x1A7F0] =	vst.add.f32.msk $0xffff, v0  }
0xd2: {  	[tilespmem:s25], [sflag:$0x3] =	stream.strided.gather [hbm4b:s10+s19], $0x2000, s20, s19, $0x38;
	[tilespmem:$0x1E780] =	vst v63  }
0xd3: {  	_ =	swait.ge [sflag:s29], $0x2000  }
0xd4: {  	[sflag:s29] =	ssyncset.done $0x0  }
0xd5: {  	s30 =	simm.s32 $0x0;
	[sflag:s29] =	ssyncadd.s32 $0xFFFFE000  }
0xd6: {  	v0 =	vld [tilespmem:s30+$0x18780];
	_ =	sdelay $0x5  }
0xd7: {  	v1 =	vld [tilespmem:s30+$0x18790];
	_ =	sdelay $0x1  }
0xd8: {  	v0 =	vld.idx.msk [tilespmem:v0+s4+$0x0], $0xffff;
	_ =	sdelay $0x3  }
0xd9: {  	v2 =	vld [tilespmem:s30+$0x187A0]  }
0xda: {  	[tilespmem:s30+$0x1C780] =	vst.add.f32.msk $0xffff, v0  }
0xdb: {  	v0 =	vld.idx.msk [tilespmem:v1+s4+$0x0], $0xffff;
	_ =	sdelay $0x3  }
0xdc: {  	v1 =	vld [tilespmem:s30+$0x187B0]  }
0xdd: {  	[tilespmem:s30+$0x1C790] =	vst.add.f32.msk $0xffff, v0  }
0xde: {  	v0 =	vld.idx.msk [tilespmem:v2+s4+$0x0], $0xffff;
	_ =	sdelay $0x3  }
0xdf: {  	v2 =	vld [tilespmem:s30+$0x187C0]  }
0xe0: {  	[tilespmem:s30+$0x1C7A0] =	vst.add.f32.msk $0xffff, v0  }
0xe1: {  	v0 =	vld.idx.msk [tilespmem:v1+s4+$0x0], $0xffff;
	_ =	sdelay $0x3  }
0xe2: {  	v1 =	vld [tilespmem:s30+$0x187D0]  }
0xe3: {  	[tilespmem:s30+$0x1C7B0] =	vst.add.f32.msk $0xffff, v0  }
0xe4: {  	v0 =	vld.idx.msk [tilespmem:v2+s4+$0x0], $0xffff;
	_ =	sdelay $0x3  }
0xe5: {  	v2 =	vld [tilespmem:s30+$0x187E0]  }
0xe6: {  	[tilespmem:s30+$0x1C7C0] =	vst.add.f32.msk $0xffff, v0  }
0xe7: {  	v1 =	vld.idx.msk [tilespmem:v1+s4+$0x0], $0xffff;
	_ =	sdelay $0x3  }
0xe8: {  	v0 =	vld [tilespmem:s30+$0x187F0]  }
0xe9: {  	[tilespmem:s30+$0x1C7D0] =	vst.add.f32.msk $0xffff, v1  }
0xea: {  	v1 =	vld.idx.msk [tilespmem:v2+s4+$0x0], $0xffff;
	_ =	sdelay $0x1  }
0xeb: {  	s8 =	simm.s32 $0x200;
	s7 =	simm.s32 $0x0  }
.LBB2_8:
0xec: {  	s9 =	sshra.s32 s8, $0x2  }
0xed: {  	s7 =	sadd.s32 $0x8, s7;
	v2 =	vld [tilespmem:s9+$0x18780]  }
0xee: {  	p0 =	slt.u32 s7, $0x1F8;
	[tilespmem:s30+$0x1C7E0] =	vst.add.f32.msk $0xffff, v1  }
0xef: {  	v0 =	vld.idx.msk [tilespmem:v0+s4+$0x0], $0xffff;
	_ =	sdelay $0x4  }
0xf0: {  	v1 =	vld [tilespmem:s9+$0x18790]  }
0xf1: {  	[tilespmem:s30+$0x1C7F0] =	vst.add.f32.msk $0xffff, v0;
	s30 =	smov.u32 s9  }
0xf2: {  	v0 =	vld.idx.msk [tilespmem:v2+s4+$0x0], $0xffff;
	_ =	sdelay $0x4  }
0xf3: {  	v2 =	vld [tilespmem:s30+$0x187A0]  }
0xf4: {  	[tilespmem:s30+$0x1C780] =	vst.add.f32.msk $0xffff, v0  }
0xf5: {  	v0 =	vld.idx.msk [tilespmem:v1+s4+$0x0], $0xffff;
	_ =	sdelay $0x4  }
0xf6: {  	v1 =	vld [tilespmem:s30+$0x187B0]  }
0xf7: {  	[tilespmem:s30+$0x1C790] =	vst.add.f32.msk $0xffff, v0  }
0xf8: {  	v0 =	vld.idx.msk [tilespmem:v2+s4+$0x0], $0xffff;
	_ =	sdelay $0x4  }
0xf9: {  	v2 =	vld [tilespmem:s30+$0x187C0]  }
0xfa: {  	[tilespmem:s30+$0x1C7A0] =	vst.add.f32.msk $0xffff, v0  }
0xfb: {  	v0 =	vld.idx.msk [tilespmem:v1+s4+$0x0], $0xffff;
	_ =	sdelay $0x4  }
0xfc: {  	v1 =	vld [tilespmem:s30+$0x187D0]  }
0xfd: {  	[tilespmem:s30+$0x1C7B0] =	vst.add.f32.msk $0xffff, v0  }
0xfe: {  	v0 =	vld.idx.msk [tilespmem:v2+s4+$0x0], $0xffff;
	_ =	sdelay $0x4  }
0xff: {  	v2 =	vld [tilespmem:s30+$0x187E0]  }
0x100: {  	[tilespmem:s30+$0x1C7C0] =	vst.add.f32.msk $0xffff, v0  }
0x101: {  	v1 =	vld.idx.msk [tilespmem:v1+s4+$0x0], $0xffff;
	_ =	sdelay $0x4  }
0x102: {  	v0 =	vld [tilespmem:s30+$0x187F0]  }
.Ltmp3:
0x103: {  	[tilespmem:s30+$0x1C7D0] =	vst.add.f32.msk $0xffff, v1;
	(pc) =	sbr.rel @p0 .LBB2_8-.Ltmp3, $2  }
0x104: {  	v1 =	vld.idx.msk [tilespmem:v2+s4+$0x0], $0xffff;
	_ =	sdelay $0x2  }
0x105: {  	s8 =	sadd.s32 $0x200, s8  }
0x106: {  	_ =	sdelay $0x2  }
0x107: {  	s3 =	sadd.s32 $0x1, s3;
	[tilespmem:s30+$0x1C7E0] =	vst.add.f32.msk $0xffff, v1  }
0x108: {  	p0 =	sne.s32 s3, $0x1A;
	v0 =	vld.idx.msk [tilespmem:v0+s4+$0x0], $0xffff  }
.Ltmp4:
0x109: {  	_ = 	snop;
	(pc) =	sbr.rel @p0 .LBB2_5-.Ltmp4, $2  }
0x10a: {  	_ =	sdelay $0x2  }
0x10b: {  	[tilespmem:s30+$0x1C7F0] =	vst.add.f32.msk $0xffff, v0  }
0x10c: {  	s0 =	sadd.s32 $0x1, s0  }
0x10d: {  	p0 =	sne.s32 s0, s18  }
.Ltmp5:
0x10e: {  	s3 =	simm.s32 $0x1A780;
	(pc) =	sbr.rel @p0 .LBB2_1-.Ltmp5, $4  }
0x10f: {  	[hbm4b:s17+s19] =	stream.strided.scatter [tilespmem:s3], [sflag:$0x4], $0x4000, s20, s19, $0x38;
	[tilespmem:$0x1E780] =	vst v63  }
0x110: {  	_ =	swait.ge [sflag:s31], $0x4000  }
0x111: {  	[sflag:s31] =	ssyncset.done $0x0  }
0x112: {  	[sflag:s31] =	ssyncadd.s32 $0xFFFFC000  }
0x113: {  	_ =	sfence.sel $0x180000  }
0x114: {  	[bflag:$0x0] =	sbarrier.arrive $0xFFFF  }
0x115: {  	_ =	strace $0x90000047  }
0x116: {  	s0 =	stileid.u32;
	[bflag:$0x2] =	sbarrier.arrive $0xFFFF  }
0x117: {  	p0 =	sne.s32 s0, $0x0;
	s0 =	rddreg [dreg:$0x3]  }
0x118: {  	s0 =	sadd.s32 @!p0 $0x100000, s0  }
0x119: {  	[sflag:s0] =	ssyncadd.tile.s32 @!p0 $0x1;
	_ =	shalt  }
.Lfunc_end2:
_tile_overlayer_lowered:
.L_overlay_start_2:
0x11a: {  	(tag) =	ssettag $0x2  }
0x11b: {  	s0 =	rddreg [dreg:$0x0];
	s2 =	stileid.u32  }
0x11c: {  	s1 =	rddreg [dreg:$0x1];
	p0 =	sne.s32 s2, $0x0  }
0x11d: {  	s3 =	rddreg [dreg:$0x2];
	[bflag:$0x3] =	sbarrier.arrive $0xFFFF;
	s2 =	simm.s32 @!p0 $0x1C04  }
0x11e: {  	[timem:s3], [sflag:s2] =	dma.local @!p0 [hbm:s0], s1  }
0x11f: {  	s0 =	simm.s32 @!p0 $0x4  }
0x120: {  	_ =	swait.ge @!p0 [sflag:s0], s1  }
0x121: {  	s1 =	ssub.s32 @!p0 $0x0, s1;
	[sflag:s0] =	ssyncset.done @!p0 $0x0  }
0x122: {  	[sflag:s0] =	ssyncadd.s32 @!p0 s1  }
0x123: {  	[bflag:$0x3] =	sbarrier.arrive $0xFFFF  }
0x124: {  	_ =	shalt  }

</sc_bundles>
